<compile_context>
chip_gen: v7x
topology: tpu7x:2x2x1
jax: 0.10.2.dev20260603
libtpu: 0.0.44.dev20260713+nightly
codegen_flags: <defaults>
</compile_context>

<pallas_src>
import functools

import jax
import jax.numpy as jnp
from jax import lax
from jax.experimental import pallas as pl
from jax.experimental.pallas import tpu as pltpu
from jax.experimental.pallas import tpu_sc as plsc

V, D, L = 100000, 64, 2
B, S = 4096, 200

NC, NS, LANES = 2, 16, 16
NW = NC * NS
DEAD = V
VP = 102400
CBLK = 51200
SP = 208
RPT = B // NW
PBLK = 512
NSLAB = RPT // LANES


def _prep_body(ids_ref, msk_ref, sela_ref, selb_ref, inv_ref):
    ids = ids_ref[...]
    msk = msk_ref[...]
    sel = jnp.where(msk > 0, ids, DEAD)
    selp = jnp.concatenate(
        [sel, jnp.full((256 - S, PBLK), DEAD, jnp.int32)], axis=0)
    sela_ref[...] = selp[:128].T
    selb_ref[...] = selp[128:].T
    cnt = jnp.sum(msk.astype(jnp.float32), axis=0)
    inv = 1.0 / jnp.maximum(cnt, 1.0)
    inv_ref[...] = jnp.broadcast_to(inv[None, :], (8, PBLK))


_prep = pl.pallas_call(
    _prep_body,
    grid=(B // PBLK,),
    in_specs=[
        pl.BlockSpec((S, PBLK), lambda i: (0, i)),
        pl.BlockSpec((S, PBLK), lambda i: (0, i)),
    ],
    out_specs=[
        pl.BlockSpec((PBLK, 128), lambda i: (i, 0)),
        pl.BlockSpec((PBLK, 128), lambda i: (i, 0)),
        pl.BlockSpec((8, PBLK), lambda i: (0, i)),
    ],
    out_shape=[
        jax.ShapeDtypeStruct((B, 128), jnp.int32),
        jax.ShapeDtypeStruct((B, 128), jnp.int32),
        jax.ShapeDtypeStruct((8, B), jnp.float32),
    ],
)


def _proj_body(w_ref, embt_ref, out_ref):
    i = pl.program_id(0)
    y = lax.dot_general(w_ref[...], embt_ref[...],
                        (((1,), (0,)), ((), ())),
                        preferred_element_type=jnp.float32)
    cols = i * CBLK + lax.broadcasted_iota(jnp.int32, (L, CBLK), 1)
    y = jnp.where(cols < V, y, 0.0)
    yb = y.astype(jnp.bfloat16)
    lo = lax.bitcast_convert_type(yb[0, :], jnp.uint16).astype(jnp.uint32)
    hi = lax.bitcast_convert_type(yb[1, :], jnp.uint16).astype(jnp.uint32)
    out_ref[...] = lax.bitcast_convert_type(lo | (hi << 16), jnp.int32)


_proj_table = pl.pallas_call(
    _proj_body,
    grid=(VP // CBLK,),
    in_specs=[
        pl.BlockSpec((L, D), lambda i: (0, 0)),
        pl.BlockSpec((D, CBLK), lambda i: (0, i)),
    ],
    out_specs=pl.BlockSpec((CBLK,), lambda i: (i,)),
    out_shape=jax.ShapeDtypeStruct((VP,), jnp.int32),
)


def _rot(x, idx):
    return lax.gather(
        x, idx[:, None],
        lax.GatherDimensionNumbers(
            offset_dims=(), collapsed_slice_dims=(0,), start_index_map=(0,)),
        (1,), mode=lax.GatherScatterMode.PROMISE_IN_BOUNDS)


def _sc_body(tbl_hbm, sela_hbm, selb_hbm, inv_hbm, bias_hbm, out_hbm,
             tbl_v, sel_v, inv_v, bias_v, out_v, tbl_sp, sems):
    sid = lax.axis_index("s")
    wid = sid * NC + lax.axis_index("c")
    row0 = wid * RPT

    def issue(slab, buf):
        rows = pl.ds(row0 + slab * LANES, LANES)
        pltpu.make_async_copy(
            sela_hbm.at[rows], sel_v.at[buf, 0], sems[buf]).start()
        pltpu.make_async_copy(
            selb_hbm.at[rows], sel_v.at[buf, 1], sems[buf]).start()

    def drain(buf):
        rows = pl.ds(row0, LANES)
        pltpu.make_async_copy(
            sela_hbm.at[rows], sel_v.at[buf, 0], sems[buf]).wait()
        pltpu.make_async_copy(
            selb_hbm.at[rows], sel_v.at[buf, 1], sems[buf]).wait()

    issue(0, 0)
    issue(1, 1)
    pltpu.make_async_copy(
        inv_hbm.at[0, pl.ds(row0, RPT)], inv_v, sems[2]).start()
    pltpu.make_async_copy(bias_hbm, bias_v, sems[2]).start()

    @pl.when(sid == 0)
    def _():
        pltpu.sync_copy(tbl_hbm, tbl_sp)
    plsc.subcore_barrier()
    pltpu.sync_copy(tbl_sp, tbl_v)

    pltpu.make_async_copy(
        inv_hbm.at[0, pl.ds(row0, RPT)], inv_v, sems[2]).wait()
    pltpu.make_async_copy(bias_hbm, bias_v, sems[2]).wait()

    lane = lax.iota(jnp.int32, LANES)
    rot8 = (lane + 8) & 15
    rot4 = (lane + 4) & 15
    rot2 = (lane + 2) & 15
    rot1 = (lane + 1) & 15
    zero = jnp.zeros((LANES,), jnp.float32)
    bias0 = _rot(bias_v[...], jnp.zeros((LANES,), jnp.int32))
    bias1 = _rot(bias_v[...], jnp.ones((LANES,), jnp.int32))

    def tree(x):
        x = x + _rot(x, rot8)
        x = x + _rot(x, rot4)
        x = x + _rot(x, rot2)
        return x + _rot(x, rot1)

    def slab_group(g, carry):
        for buf in range(2):
            slab = g * 2 + buf
            drain(buf)

            def row_body(r2, regs):
                sr0, sr1 = regs
                for k in range(2):
                    r = r2 * 2 + k
                    a = [zero, zero, zero, zero]
                    b = [zero, zero, zero, zero]
                    for c in range(SP // LANES):
                        half, cc = (0, c) if c < 8 else (1, c - 8)
                        sel16 = sel_v[buf, half, r, pl.ds(cc * LANES, LANES)]
                        g16 = plsc.load_gather(tbl_v, [sel16])
                        pair = plsc.bitcast(g16, jnp.bfloat16)
                        u0, u1 = plsc.unpack(
                            pair, format=plsc.PackFormat.INTERLEAVED)
                        a[c % 4] = a[c % 4] + u0
                        b[c % 4] = b[c % 4] + u1
                    t0 = tree((a[0] + a[1]) + (a[2] + a[3]))
                    t1 = tree((b[0] + b[1]) + (b[2] + b[3]))
                    sr0 = jnp.where(lane == r, t0, sr0)
                    sr1 = jnp.where(lane == r, t1, sr1)
                return (sr0, sr1)
            sr0, sr1 = lax.fori_loop(0, LANES // 2, row_body, (zero, zero))

            @pl.when(slab + 2 < NSLAB)
            def _():
                issue(slab + 2, buf)

            sl = pl.ds(slab * LANES, LANES)
            iv = inv_v[sl]
            out_v[0, sl] = sr0 * iv + bias0
            out_v[1, sl] = sr1 * iv + bias1
        return carry
    lax.fori_loop(0, NSLAB // 2, slab_group, 0)

    pltpu.sync_copy(out_v.at[0], out_hbm.at[0, pl.ds(row0, RPT)])
    pltpu.sync_copy(out_v.at[1], out_hbm.at[1, pl.ds(row0, RPT)])


_sc_logits = functools.partial(
    pl.kernel,
    out_type=jax.ShapeDtypeStruct((L, B), jnp.float32),
    mesh=plsc.VectorSubcoreMesh(core_axis_name="c", subcore_axis_name="s"),
    compiler_params=pltpu.CompilerParams(
        use_tc_tiling_on_sc=False, needs_layout_passes=False),
    scratch_types=[
        pltpu.VMEM((VP,), jnp.int32),
        pltpu.VMEM((2, 2, LANES, 128), jnp.int32),
        pltpu.VMEM((RPT,), jnp.float32),
        pltpu.VMEM((LANES,), jnp.float32),
        pltpu.VMEM((L, RPT), jnp.float32),
        pltpu.VMEM_SHARED((VP,), jnp.int32),
        [pltpu.SemaphoreType.DMA] * 3,
    ],
)(_sc_body)


def kernel(input_ids, attention_mask, emb_weight, fc_w, fc_b):
    sela, selb, inv8 = _prep(input_ids.T.astype(jnp.int32),
                             attention_mask.T.astype(jnp.int32))
    tbl = _proj_table(fc_w.astype(jnp.float32), emb_weight.T)
    bias16 = jnp.zeros((LANES,), jnp.float32).at[:L].set(fc_b)
    out2 = _sc_logits(tbl, sela, selb, inv8, bias16)
    return out2.T

# --- scband reference (transcript-rebuilt; emitter-appended) ---
"""Pipeline reference for scband-tiny-head-69561290326211 (READ-ONLY COPY).

The authoritative reference and input builder live on the scoring server;
editing this copy changes nothing except your own understanding.
"""

import jax, jax.numpy as jnp
import numpy as np

V, D, L = 100000, 64, 2
B, S = 4096, 200


def setup_inputs(seed: int = 0) -> dict:
    key = jax.random.key(seed)
    k1, k2, k3, k4, k5 = jax.random.split(key, 5)
    input_ids = jax.random.randint(k1, (B, S), 0, V)
    attention_mask = jax.random.randint(k2, (B, S), 0, 2).astype(jnp.int32)
    emb_weight = jax.random.normal(k3, (V, D), dtype=jnp.float32)
    fc_w = jax.random.normal(k4, (L, D), dtype=jnp.float32) * 0.05
    fc_b = jax.random.normal(k5, (L,), dtype=jnp.float32) * 0.05
    return {
        "input_ids": input_ids,
        "attention_mask": attention_mask,
        "emb_weight": emb_weight,
        "fc_w": fc_w,
        "fc_b": fc_b,
    }


def reference(input_ids, attention_mask, emb_weight, fc_w, fc_b):
    # embedding lookup (padding_idx only affects grads, forward is a plain gather
    # since emb.weight was overwritten with the provided embedding_weight)
    x = jnp.take(emb_weight, input_ids, axis=0)  # [B, S, D]
    m = attention_mask[..., None].astype(jnp.float32)  # [B, S, 1]
    x = (x * m).sum(axis=1) / jnp.maximum(m.sum(axis=1), 1.0)  # [B, D]
    return x @ fc_w.T + fc_b  # [B, L]

if __name__ == "__main__":
    import jax
    _d = setup_inputs()
    print(jax.jit(kernel)(*tuple(_d.values())))

</pallas_src>

<mosaic_0001>
#map = affine_map<(d0, d1) -> (0)>
#map1 = affine_map<(d0, d1) -> (0, 0)>
module attributes {stable_mosaic.version = 14 : i64} {
  func.func @_sc_body(%arg0: i32, %arg1: i32, %arg2: memref<102400xi32, #tpu.memory_space<hbm>>, %arg3: memref<4096x128xi32, #tpu.memory_space<hbm>>, %arg4: memref<4096x128xi32, #tpu.memory_space<hbm>>, %arg5: memref<8x4096xf32, #tpu.memory_space<hbm>>, %arg6: memref<16xf32, #tpu.memory_space<hbm>>, %arg7: memref<2x4096xf32, #tpu.memory_space<hbm>>, %arg8: memref<102400xi32, #tpu.memory_space<vmem>>, %arg9: memref<2x2x16x128xi32, #tpu.memory_space<vmem>>, %arg10: memref<128xf32, #tpu.memory_space<vmem>>, %arg11: memref<16xf32, #tpu.memory_space<vmem>>, %arg12: memref<2x128xf32, #tpu.memory_space<vmem>>, %arg13: memref<102400xi32, #tpu.memory_space<vmem_shared>>, %arg14: memref<!tpu.dma_semaphore, #tpu.memory_space<semaphore_mem>>, %arg15: memref<!tpu.dma_semaphore, #tpu.memory_space<semaphore_mem>>, %arg16: memref<!tpu.dma_semaphore, #tpu.memory_space<semaphore_mem>>) attributes {dimension_semantics = [#tpu.dimension_semantics<core_parallel>, #tpu.dimension_semantics<subcore_parallel>], iteration_bounds = array<i64: 2, 16>, scalar_prefetch = 0 : i64, scratch_operands = 9 : i64, tpu.core_type = #tpu.core_type<sc_vector_subcore>, window_params = [{transform_indices = #map}, {transform_indices = #map1}, {transform_indices = #map1}, {transform_indices = #map1}, {transform_indices = #map}, {transform_indices = #map1}]} {
    %mul3A = arith.constant 2 : i32
    %mul3A_0 = arith.muli %arg1, %mul3A : i32
    %add3A = arith.addi %mul3A_0, %arg0 : i32
    %mul3A_1 = arith.constant 128 : i32
    %mul3A_2 = arith.muli %add3A, %mul3A_1 : i32
    %add3A_3 = arith.constant 0 : i32
    %add3A_4 = arith.addi %mul3A_2, %add3A_3 : i32
    %dma_start3A = arith.constant 0 : i32
    %dma_start3A_5 = arith.constant 0 : i32
    %dma_start3A_6 = arith.constant 0 : i32
    %dma_start3A_7 = arith.constant 0 : i32
    %dma_start3A_8 = tpu.memref_slice %arg9[%dma_start3A, %dma_start3A_5, %dma_start3A_6, %dma_start3A_7] : memref<2x2x16x128xi32, #tpu.memory_space<vmem>> -> memref<1x1x16x128xi32, #tpu.memory_space<vmem>>
    %dma_start3A_9 = tpu.memref_squeeze %dma_start3A_8 : memref<1x1x16x128xi32, #tpu.memory_space<vmem>> -> memref<16x128xi32, #tpu.memory_space<vmem>>
    %dma_start3A_10 = arith.constant 0 : i32
    %dma_start3A_11 = tpu.memref_slice %arg3[%add3A_4, %dma_start3A_10] : memref<4096x128xi32, #tpu.memory_space<hbm>> -> memref<16x128xi32, #tpu.memory_space<hbm>>
    %dma_start3A_12 = arith.constant 0 : i32
    %dma_start3A_13 = arith.constant 0 : i32
    %dma_start3A_14 = tpu.memref_slice %arg9[%dma_start3A, %dma_start3A_5, %dma_start3A_12, %dma_start3A_13] : memref<2x2x16x128xi32, #tpu.memory_space<vmem>> -> memref<1x1x16x128xi32, #tpu.memory_space<vmem>>
    %dma_start3A_15 = tpu.memref_squeeze %dma_start3A_14 : memref<1x1x16x128xi32, #tpu.memory_space<vmem>> -> memref<16x128xi32, #tpu.memory_space<vmem>>
    %dma_start3A_16 = arith.constant 0 : i32
    %dma_start3A_17 = tpu.memref_slice %arg3[%add3A_4, %dma_start3A_16] : memref<4096x128xi32, #tpu.memory_space<hbm>> -> memref<16x128xi32, #tpu.memory_space<hbm>>
    tpu.enqueue_dma source(%dma_start3A_17 : memref<16x128xi32, #tpu.memory_space<hbm>>) target(%dma_start3A_15 : memref<16x128xi32, #tpu.memory_space<vmem>>) target_semaphore(%arg14 : memref<!tpu.dma_semaphore, #tpu.memory_space<semaphore_mem>>)
    %dma_start3A_18 = arith.constant 0 : i32
    %dma_start3A_19 = arith.constant 1 : i32
    %dma_start3A_20 = arith.constant 0 : i32
    %dma_start3A_21 = arith.constant 0 : i32
    %dma_start3A_22 = tpu.memref_slice %arg9[%dma_start3A_18, %dma_start3A_19, %dma_start3A_20, %dma_start3A_21] : memref<2x2x16x128xi32, #tpu.memory_space<vmem>> -> memref<1x1x16x128xi32, #tpu.memory_space<vmem>>
    %dma_start3A_23 = tpu.memref_squeeze %dma_start3A_22 : memref<1x1x16x128xi32, #tpu.memory_space<vmem>> -> memref<16x128xi32, #tpu.memory_space<vmem>>
    %dma_start3A_24 = arith.constant 0 : i32
    %dma_start3A_25 = tpu.memref_slice %arg4[%add3A_4, %dma_start3A_24] : memref<4096x128xi32, #tpu.memory_space<hbm>> -> memref<16x128xi32, #tpu.memory_space<hbm>>
    %dma_start3A_26 = arith.constant 0 : i32
    %dma_start3A_27 = arith.constant 0 : i32
    %dma_start3A_28 = tpu.memref_slice %arg9[%dma_start3A_18, %dma_start3A_19, %dma_start3A_26, %dma_start3A_27] : memref<2x2x16x128xi32, #tpu.memory_space<vmem>> -> memref<1x1x16x128xi32, #tpu.memory_space<vmem>>
    %dma_start3A_29 = tpu.memref_squeeze %dma_start3A_28 : memref<1x1x16x128xi32, #tpu.memory_space<vmem>> -> memref<16x128xi32, #tpu.memory_space<vmem>>
    %dma_start3A_30 = arith.constant 0 : i32
    %dma_start3A_31 = tpu.memref_slice %arg4[%add3A_4, %dma_start3A_30] : memref<4096x128xi32, #tpu.memory_space<hbm>> -> memref<16x128xi32, #tpu.memory_space<hbm>>
    tpu.enqueue_dma source(%dma_start3A_31 : memref<16x128xi32, #tpu.memory_space<hbm>>) target(%dma_start3A_29 : memref<16x128xi32, #tpu.memory_space<vmem>>) target_semaphore(%arg14 : memref<!tpu.dma_semaphore, #tpu.memory_space<semaphore_mem>>)
    %add3A_32 = arith.constant 16 : i32
    %add3A_33 = arith.addi %mul3A_2, %add3A_32 : i32
    %dma_start3A_34 = arith.constant 1 : i32
    %dma_start3A_35 = arith.constant 0 : i32
    %dma_start3A_36 = arith.constant 0 : i32
    %dma_start3A_37 = arith.constant 0 : i32
    %dma_start3A_38 = tpu.memref_slice %arg9[%dma_start3A_34, %dma_start3A_35, %dma_start3A_36, %dma_start3A_37] : memref<2x2x16x128xi32, #tpu.memory_space<vmem>> -> memref<1x1x16x128xi32, #tpu.memory_space<vmem>>
    %dma_start3A_39 = tpu.memref_squeeze %dma_start3A_38 : memref<1x1x16x128xi32, #tpu.memory_space<vmem>> -> memref<16x128xi32, #tpu.memory_space<vmem>>
    %dma_start3A_40 = arith.constant 0 : i32
    %dma_start3A_41 = tpu.memref_slice %arg3[%add3A_33, %dma_start3A_40] : memref<4096x128xi32, #tpu.memory_space<hbm>> -> memref<16x128xi32, #tpu.memory_space<hbm>>
    %dma_start3A_42 = arith.constant 0 : i32
    %dma_start3A_43 = arith.constant 0 : i32
    %dma_start3A_44 = tpu.memref_slice %arg9[%dma_start3A_34, %dma_start3A_35, %dma_start3A_42, %dma_start3A_43] : memref<2x2x16x128xi32, #tpu.memory_space<vmem>> -> memref<1x1x16x128xi32, #tpu.memory_space<vmem>>
    %dma_start3A_45 = tpu.memref_squeeze %dma_start3A_44 : memref<1x1x16x128xi32, #tpu.memory_space<vmem>> -> memref<16x128xi32, #tpu.memory_space<vmem>>
    %dma_start3A_46 = arith.constant 0 : i32
    %dma_start3A_47 = tpu.memref_slice %arg3[%add3A_33, %dma_start3A_46] : memref<4096x128xi32, #tpu.memory_space<hbm>> -> memref<16x128xi32, #tpu.memory_space<hbm>>
    tpu.enqueue_dma source(%dma_start3A_47 : memref<16x128xi32, #tpu.memory_space<hbm>>) target(%dma_start3A_45 : memref<16x128xi32, #tpu.memory_space<vmem>>) target_semaphore(%arg15 : memref<!tpu.dma_semaphore, #tpu.memory_space<semaphore_mem>>)
    %dma_start3A_48 = arith.constant 1 : i32
    %dma_start3A_49 = arith.constant 1 : i32
    %dma_start3A_50 = arith.constant 0 : i32
    %dma_start3A_51 = arith.constant 0 : i32
    %dma_start3A_52 = tpu.memref_slice %arg9[%dma_start3A_48, %dma_start3A_49, %dma_start3A_50, %dma_start3A_51] : memref<2x2x16x128xi32, #tpu.memory_space<vmem>> -> memref<1x1x16x128xi32, #tpu.memory_space<vmem>>
    %dma_start3A_53 = tpu.memref_squeeze %dma_start3A_52 : memref<1x1x16x128xi32, #tpu.memory_space<vmem>> -> memref<16x128xi32, #tpu.memory_space<vmem>>
    %dma_start3A_54 = arith.constant 0 : i32
    %dma_start3A_55 = tpu.memref_slice %arg4[%add3A_33, %dma_start3A_54] : memref<4096x128xi32, #tpu.memory_space<hbm>> -> memref<16x128xi32, #tpu.memory_space<hbm>>
    %dma_start3A_56 = arith.constant 0 : i32
    %dma_start3A_57 = arith.constant 0 : i32
    %dma_start3A_58 = tpu.memref_slice %arg9[%dma_start3A_48, %dma_start3A_49, %dma_start3A_56, %dma_start3A_57] : memref<2x2x16x128xi32, #tpu.memory_space<vmem>> -> memref<1x1x16x128xi32, #tpu.memory_space<vmem>>
    %dma_start3A_59 = tpu.memref_squeeze %dma_start3A_58 : memref<1x1x16x128xi32, #tpu.memory_space<vmem>> -> memref<16x128xi32, #tpu.memory_space<vmem>>
    %dma_start3A_60 = arith.constant 0 : i32
    %dma_start3A_61 = tpu.memref_slice %arg4[%add3A_33, %dma_start3A_60] : memref<4096x128xi32, #tpu.memory_space<hbm>> -> memref<16x128xi32, #tpu.memory_space<hbm>>
    tpu.enqueue_dma source(%dma_start3A_61 : memref<16x128xi32, #tpu.memory_space<hbm>>) target(%dma_start3A_59 : memref<16x128xi32, #tpu.memory_space<vmem>>) target_semaphore(%arg15 : memref<!tpu.dma_semaphore, #tpu.memory_space<semaphore_mem>>)
    %dma_start3A_62 = arith.constant 0 : i32
    %dma_start3A_63 = tpu.memref_slice %arg5[%dma_start3A_62, %mul3A_2] : memref<8x4096xf32, #tpu.memory_space<hbm>> -> memref<1x128xf32, #tpu.memory_space<hbm>>
    %dma_start3A_64 = tpu.memref_squeeze %dma_start3A_63 : memref<1x128xf32, #tpu.memory_space<hbm>> -> memref<128xf32, #tpu.memory_space<hbm>>
    %dma_start3A_65 = tpu.memref_slice %arg5[%dma_start3A_62, %mul3A_2] : memref<8x4096xf32, #tpu.memory_space<hbm>> -> memref<1x128xf32, #tpu.memory_space<hbm>>
    %dma_start3A_66 = tpu.memref_squeeze %dma_start3A_65 : memref<1x128xf32, #tpu.memory_space<hbm>> -> memref<128xf32, #tpu.memory_space<hbm>>
    tpu.enqueue_dma source(%dma_start3A_66 : memref<128xf32, #tpu.memory_space<hbm>>) target(%arg10 : memref<128xf32, #tpu.memory_space<vmem>>) target_semaphore(%arg16 : memref<!tpu.dma_semaphore, #tpu.memory_space<semaphore_mem>>)
    tpu.enqueue_dma source(%arg6 : memref<16xf32, #tpu.memory_space<hbm>>) target(%arg11 : memref<16xf32, #tpu.memory_space<vmem>>) target_semaphore(%arg16 : memref<!tpu.dma_semaphore, #tpu.memory_space<semaphore_mem>>)
    %eq3A = arith.constant 0 : i32
    %eq3A_67 = arith.cmpi eq, %arg1, %eq3A : i32
    %convert_element_type3A = arith.extui %eq3A_67 : i1 to i32
    %cond3A = arith.constant 0 : i32
    %cond3A_68 = arith.cmpi ne, %convert_element_type3A, %cond3A : i32
    scf.if %cond3A_68 {
      "tpu.region"() ({
        %run_scoped3A_117 = tpu.sem_alloc : memref<!tpu.dma_semaphore, #tpu.memory_space<semaphore_mem>>
        tpu.enqueue_dma source(%arg2 : memref<102400xi32, #tpu.memory_space<hbm>>) target(%arg13 : memref<102400xi32, #tpu.memory_space<vmem_shared>>) target_semaphore(%run_scoped3A_117 : memref<!tpu.dma_semaphore, #tpu.memory_space<semaphore_mem>>)
        tpu.wait_dma2 semaphore(%run_scoped3A_117 : memref<!tpu.dma_semaphore, #tpu.memory_space<semaphore_mem>>) src(%arg2 : memref<102400xi32, #tpu.memory_space<hbm>>) dst(%arg13 : memref<102400xi32, #tpu.memory_space<vmem_shared>>)
        tpu.yield
      }) : () -> ()
    } else {
    }
    %barrier3A = arith.constant 0 : index
    tpu.barrier barrier_id(%barrier3A)
    "tpu.region"() ({
      %run_scoped3A_117 = tpu.sem_alloc : memref<!tpu.dma_semaphore, #tpu.memory_space<semaphore_mem>>
      tpu.enqueue_dma source(%arg13 : memref<102400xi32, #tpu.memory_space<vmem_shared>>) target(%arg8 : memref<102400xi32, #tpu.memory_space<vmem>>) target_semaphore(%run_scoped3A_117 : memref<!tpu.dma_semaphore, #tpu.memory_space<semaphore_mem>>)
      tpu.wait_dma2 semaphore(%run_scoped3A_117 : memref<!tpu.dma_semaphore, #tpu.memory_space<semaphore_mem>>) src(%arg13 : memref<102400xi32, #tpu.memory_space<vmem_shared>>) dst(%arg8 : memref<102400xi32, #tpu.memory_space<vmem>>)
      tpu.yield
    }) : () -> ()
    %dma_wait3A = arith.constant 0 : i32
    %dma_wait3A_69 = tpu.memref_slice %arg5[%dma_wait3A, %mul3A_2] : memref<8x4096xf32, #tpu.memory_space<hbm>> -> memref<1x128xf32, #tpu.memory_space<hbm>>
    %dma_wait3A_70 = tpu.memref_squeeze %dma_wait3A_69 : memref<1x128xf32, #tpu.memory_space<hbm>> -> memref<128xf32, #tpu.memory_space<hbm>>
    %dma_wait3A_71 = tpu.memref_slice %arg5[%dma_wait3A, %mul3A_2] : memref<8x4096xf32, #tpu.memory_space<hbm>> -> memref<1x128xf32, #tpu.memory_space<hbm>>
    %dma_wait3A_72 = tpu.memref_squeeze %dma_wait3A_71 : memref<1x128xf32, #tpu.memory_space<hbm>> -> memref<128xf32, #tpu.memory_space<hbm>>
    tpu.wait_dma2 semaphore(%arg16 : memref<!tpu.dma_semaphore, #tpu.memory_space<semaphore_mem>>) src(%dma_wait3A_72 : memref<128xf32, #tpu.memory_space<hbm>>) dst(%arg10 : memref<128xf32, #tpu.memory_space<vmem>>)
    tpu.wait_dma2 semaphore(%arg16 : memref<!tpu.dma_semaphore, #tpu.memory_space<semaphore_mem>>) src(%arg6 : memref<16xf32, #tpu.memory_space<hbm>>) dst(%arg11 : memref<16xf32, #tpu.memory_space<vmem>>)
    %iota3A = tpu.iota {dimensions = array<i32: 0>} : vector<16xi32>
    %add3A_73 = arith.constant 8 : i32
    %add3A_74 = vector.broadcast %add3A_73 : i32 to vector<16xi32>
    %add3A_75 = arith.addi %iota3A, %add3A_74 : vector<16xi32>
    %and3A = arith.constant 15 : i32
    %and3A_76 = vector.broadcast %and3A : i32 to vector<16xi32>
    %and3A_77 = arith.andi %add3A_75, %and3A_76 : vector<16xi32>
    %add3A_78 = arith.constant 4 : i32
    %add3A_79 = vector.broadcast %add3A_78 : i32 to vector<16xi32>
    %add3A_80 = arith.addi %iota3A, %add3A_79 : vector<16xi32>
    %and3A_81 = arith.constant 15 : i32
    %and3A_82 = vector.broadcast %and3A_81 : i32 to vector<16xi32>
    %and3A_83 = arith.andi %add3A_80, %and3A_82 : vector<16xi32>
    %add3A_84 = arith.constant 2 : i32
    %add3A_85 = vector.broadcast %add3A_84 : i32 to vector<16xi32>
    %add3A_86 = arith.addi %iota3A, %add3A_85 : vector<16xi32>
    %and3A_87 = arith.constant 15 : i32
    %and3A_88 = vector.broadcast %and3A_87 : i32 to vector<16xi32>
    %and3A_89 = arith.andi %add3A_86, %and3A_88 : vector<16xi32>
    %add3A_90 = arith.constant 1 : i32
    %add3A_91 = vector.broadcast %add3A_90 : i32 to vector<16xi32>
    %add3A_92 = arith.addi %iota3A, %add3A_91 : vector<16xi32>
    %and3A_93 = arith.constant 15 : i32
    %and3A_94 = vector.broadcast %and3A_93 : i32 to vector<16xi32>
    %and3A_95 = arith.andi %add3A_92, %and3A_94 : vector<16xi32>
    %broadcast_in_dim3A = arith.constant 0.000000e+00 : f32
    %broadcast_in_dim3A_96 = vector.broadcast %broadcast_in_dim3A : f32 to vector<16xf32>
    %get3A = arith.constant 0 : index
    %get3A_97 = tpu.vector_load %arg11[%get3A] {strides = array<i32>} : memref<16xf32, #tpu.memory_space<vmem>>, vector<16xf32>,
    %broadcast_in_dim3A_98 = arith.constant 0 : i32
    %broadcast_in_dim3A_99 = vector.broadcast %broadcast_in_dim3A_98 : i32 to vector<16xi32>
    %broadcast_in_dim3A_100 = vector.shape_cast %broadcast_in_dim3A_99 : vector<16xi32> to vector<16x1xi32>
    %gather3A = vector.shape_cast %broadcast_in_dim3A_100 : vector<16x1xi32> to vector<16xi32>
    %gather3A_101 = tpu.dynamic_gather %get3A_97[%gather3A] in [0] : vector<16xf32>, vector<16xi32> -> vector<16xf32>
    %get3A_102 = arith.constant 0 : index
    %get3A_103 = tpu.vector_load %arg11[%get3A_102] {strides = array<i32>} : memref<16xf32, #tpu.memory_space<vmem>>, vector<16xf32>,
    %broadcast_in_dim3A_104 = arith.constant 1 : i32
    %broadcast_in_dim3A_105 = vector.broadcast %broadcast_in_dim3A_104 : i32 to vector<16xi32>
    %broadcast_in_dim3A_106 = vector.shape_cast %broadcast_in_dim3A_105 : vector<16xi32> to vector<16x1xi32>
    %gather3A_107 = vector.shape_cast %broadcast_in_dim3A_106 : vector<16x1xi32> to vector<16xi32>
    %gather3A_108 = tpu.dynamic_gather %get3A_103[%gather3A_107] in [0] : vector<16xf32>, vector<16xi32> -> vector<16xf32>
    %scan3A = arith.constant 0 : i32
    %scan3A_109 = arith.constant 0 : i32
    %scan3A_110 = arith.constant 4 : i32
    %scan3A_111 = arith.addi %scan3A_109, %scan3A_110 : i32
    %scan3A_112 = arith.constant 1 : i32
    scf.for %scan3A_117 = %scan3A_109 to %scan3A_111 step %scan3A_112  : i32 {
      %mul3A_118 = arith.constant 2 : i32
      %mul3A_119 = arith.muli %scan3A_117, %mul3A_118 : i32
      %add3A_120 = arith.constant 0 : i32
      %add3A_121 = arith.addi %mul3A_119, %add3A_120 : i32
      %dma_wait3A_122 = arith.constant 0 : i32
      %dma_wait3A_123 = arith.constant 0 : i32
      %dma_wait3A_124 = arith.constant 0 : i32
      %dma_wait3A_125 = arith.constant 0 : i32
      %dma_wait3A_126 = tpu.memref_slice %arg9[%dma_wait3A_122, %dma_wait3A_123, %dma_wait3A_124, %dma_wait3A_125] : memref<2x2x16x128xi32, #tpu.memory_space<vmem>> -> memref<1x1x16x128xi32, #tpu.memory_space<vmem>>
      %dma_wait3A_127 = tpu.memref_squeeze %dma_wait3A_126 : memref<1x1x16x128xi32, #tpu.memory_space<vmem>> -> memref<16x128xi32, #tpu.memory_space<vmem>>
      %dma_wait3A_128 = arith.constant 0 : i32
      %dma_wait3A_129 = tpu.memref_slice %arg3[%mul3A_2, %dma_wait3A_128] : memref<4096x128xi32, #tpu.memory_space<hbm>> -> memref<16x128xi32, #tpu.memory_space<hbm>>
      %dma_wait3A_130 = arith.constant 0 : i32
      %dma_wait3A_131 = arith.constant 0 : i32
      %dma_wait3A_132 = tpu.memref_slice %arg9[%dma_wait3A_122, %dma_wait3A_123, %dma_wait3A_130, %dma_wait3A_131] : memref<2x2x16x128xi32, #tpu.memory_space<vmem>> -> memref<1x1x16x128xi32, #tpu.memory_space<vmem>>
      %dma_wait3A_133 = tpu.memref_squeeze %dma_wait3A_132 : memref<1x1x16x128xi32, #tpu.memory_space<vmem>> -> memref<16x128xi32, #tpu.memory_space<vmem>>
      %dma_wait3A_134 = arith.constant 0 : i32
      %dma_wait3A_135 = tpu.memref_slice %arg3[%mul3A_2, %dma_wait3A_134] : memref<4096x128xi32, #tpu.memory_space<hbm>> -> memref<16x128xi32, #tpu.memory_space<hbm>>
      tpu.wait_dma2 semaphore(%arg14 : memref<!tpu.dma_semaphore, #tpu.memory_space<semaphore_mem>>) src(%dma_wait3A_135 : memref<16x128xi32, #tpu.memory_space<hbm>>) dst(%dma_wait3A_133 : memref<16x128xi32, #tpu.memory_space<vmem>>)
      %dma_wait3A_136 = arith.constant 0 : i32
      %dma_wait3A_137 = arith.constant 1 : i32
      %dma_wait3A_138 = arith.constant 0 : i32
      %dma_wait3A_139 = arith.constant 0 : i32
      %dma_wait3A_140 = tpu.memref_slice %arg9[%dma_wait3A_136, %dma_wait3A_137, %dma_wait3A_138, %dma_wait3A_139] : memref<2x2x16x128xi32, #tpu.memory_space<vmem>> -> memref<1x1x16x128xi32, #tpu.memory_space<vmem>>
      %dma_wait3A_141 = tpu.memref_squeeze %dma_wait3A_140 : memref<1x1x16x128xi32, #tpu.memory_space<vmem>> -> memref<16x128xi32, #tpu.memory_space<vmem>>
      %dma_wait3A_142 = arith.constant 0 : i32
      %dma_wait3A_143 = tpu.memref_slice %arg4[%mul3A_2, %dma_wait3A_142] : memref<4096x128xi32, #tpu.memory_space<hbm>> -> memref<16x128xi32, #tpu.memory_space<hbm>>
      %dma_wait3A_144 = arith.constant 0 : i32
      %dma_wait3A_145 = arith.constant 0 : i32
      %dma_wait3A_146 = tpu.memref_slice %arg9[%dma_wait3A_136, %dma_wait3A_137, %dma_wait3A_144, %dma_wait3A_145] : memref<2x2x16x128xi32, #tpu.memory_space<vmem>> -> memref<1x1x16x128xi32, #tpu.memory_space<vmem>>
      %dma_wait3A_147 = tpu.memref_squeeze %dma_wait3A_146 : memref<1x1x16x128xi32, #tpu.memory_space<vmem>> -> memref<16x128xi32, #tpu.memory_space<vmem>>
      %dma_wait3A_148 = arith.constant 0 : i32
      %dma_wait3A_149 = tpu.memref_slice %arg4[%mul3A_2, %dma_wait3A_148] : memref<4096x128xi32, #tpu.memory_space<hbm>> -> memref<16x128xi32, #tpu.memory_space<hbm>>
      tpu.wait_dma2 semaphore(%arg14 : memref<!tpu.dma_semaphore, #tpu.memory_space<semaphore_mem>>) src(%dma_wait3A_149 : memref<16x128xi32, #tpu.memory_space<hbm>>) dst(%dma_wait3A_147 : memref<16x128xi32, #tpu.memory_space<vmem>>)
      %scan3A_150 = arith.constant 0 : i32
      %scan3A_151 = arith.constant 8 : i32
      %scan3A_152 = arith.addi %scan3A_150, %scan3A_151 : i32
      %scan3A_153 = arith.constant 1 : i32
      %scan3A_154:2 = scf.for %scan3A_238 = %scan3A_150 to %scan3A_152 step %scan3A_153 iter_args(%scan3A_239 = %broadcast_in_dim3A_96, %scan3A_240 = %broadcast_in_dim3A_96) -> (vector<16xf32>, vector<16xf32>)  : i32 {
        %mul3A_241 = arith.constant 2 : i32
        %mul3A_242 = arith.muli %scan3A_238, %mul3A_241 : i32
        %add3A_243 = arith.constant 0 : i32
        %add3A_244 = arith.addi %mul3A_242, %add3A_243 : i32
        %get3A_245 = arith.constant 0 : i32
        %get3A_246 = arith.constant 0 : i32
        %get3A_247 = arith.index_cast %get3A_245 : i32 to index
        %get3A_248 = arith.index_cast %get3A_246 : i32 to index
        %get3A_249 = arith.index_cast %add3A_244 : i32 to index
        %get3A_250 = arith.constant 0 : index
        %get3A_251 = tpu.vector_load %arg9[%get3A_247, %get3A_248, %get3A_249, %get3A_250] {strides = array<i32>} : memref<2x2x16x128xi32, #tpu.memory_space<vmem>>, vector<16xi32>,
        %gather3A_252 = tpu.vector_load_idx %arg8[%get3A_251] : memref<102400xi32, #tpu.memory_space<vmem>>[vector<16xi32>], vector<16xi32>,
        %bitcast3A = vector.bitcast %gather3A_252 : vector<16xi32> to vector<32xbf16>
        %unpack3A = tpu.unpack_subelements %bitcast3A, 0 {pack_format = #tpu.pack_format<interleaved>} : vector<32xbf16> -> vector<16xf32>
        %unpack3A_253 = tpu.unpack_subelements %bitcast3A, 1 {pack_format = #tpu.pack_format<interleaved>} : vector<32xbf16> -> vector<16xf32>
        %add3A_254 = arith.addf %broadcast_in_dim3A_96, %unpack3A : vector<16xf32>
        %add3A_255 = arith.addf %broadcast_in_dim3A_96, %unpack3A_253 : vector<16xf32>
        %get3A_256 = arith.constant 0 : i32
        %get3A_257 = arith.constant 0 : i32
        %get3A_258 = arith.index_cast %get3A_256 : i32 to index
        %get3A_259 = arith.index_cast %get3A_257 : i32 to index
        %get3A_260 = arith.index_cast %add3A_244 : i32 to index
        %get3A_261 = arith.constant 16 : index
        %get3A_262 = tpu.vector_load %arg9[%get3A_258, %get3A_259, %get3A_260, %get3A_261] {strides = array<i32>} : memref<2x2x16x128xi32, #tpu.memory_space<vmem>>, vector<16xi32>,
        %gather3A_263 = tpu.vector_load_idx %arg8[%get3A_262] : memref<102400xi32, #tpu.memory_space<vmem>>[vector<16xi32>], vector<16xi32>,
        %bitcast3A_264 = vector.bitcast %gather3A_263 : vector<16xi32> to vector<32xbf16>
        %unpack3A_265 = tpu.unpack_subelements %bitcast3A_264, 0 {pack_format = #tpu.pack_format<interleaved>} : vector<32xbf16> -> vector<16xf32>
        %unpack3A_266 = tpu.unpack_subelements %bitcast3A_264, 1 {pack_format = #tpu.pack_format<interleaved>} : vector<32xbf16> -> vector<16xf32>
        %add3A_267 = arith.addf %broadcast_in_dim3A_96, %unpack3A_265 : vector<16xf32>
        %add3A_268 = arith.addf %broadcast_in_dim3A_96, %unpack3A_266 : vector<16xf32>
        %get3A_269 = arith.constant 0 : i32
        %get3A_270 = arith.constant 0 : i32
        %get3A_271 = arith.index_cast %get3A_269 : i32 to index
        %get3A_272 = arith.index_cast %get3A_270 : i32 to index
        %get3A_273 = arith.index_cast %add3A_244 : i32 to index
        %get3A_274 = arith.constant 32 : index
        %get3A_275 = tpu.vector_load %arg9[%get3A_271, %get3A_272, %get3A_273, %get3A_274] {strides = array<i32>} : memref<2x2x16x128xi32, #tpu.memory_space<vmem>>, vector<16xi32>,
        %gather3A_276 = tpu.vector_load_idx %arg8[%get3A_275] : memref<102400xi32, #tpu.memory_space<vmem>>[vector<16xi32>], vector<16xi32>,
        %bitcast3A_277 = vector.bitcast %gather3A_276 : vector<16xi32> to vector<32xbf16>
        %unpack3A_278 = tpu.unpack_subelements %bitcast3A_277, 0 {pack_format = #tpu.pack_format<interleaved>} : vector<32xbf16> -> vector<16xf32>
        %unpack3A_279 = tpu.unpack_subelements %bitcast3A_277, 1 {pack_format = #tpu.pack_format<interleaved>} : vector<32xbf16> -> vector<16xf32>
        %add3A_280 = arith.addf %broadcast_in_dim3A_96, %unpack3A_278 : vector<16xf32>
        %add3A_281 = arith.addf %broadcast_in_dim3A_96, %unpack3A_279 : vector<16xf32>
        %get3A_282 = arith.constant 0 : i32
        %get3A_283 = arith.constant 0 : i32
        %get3A_284 = arith.index_cast %get3A_282 : i32 to index
        %get3A_285 = arith.index_cast %get3A_283 : i32 to index
        %get3A_286 = arith.index_cast %add3A_244 : i32 to index
        %get3A_287 = arith.constant 48 : index
        %get3A_288 = tpu.vector_load %arg9[%get3A_284, %get3A_285, %get3A_286, %get3A_287] {strides = array<i32>} : memref<2x2x16x128xi32, #tpu.memory_space<vmem>>, vector<16xi32>,
        %gather3A_289 = tpu.vector_load_idx %arg8[%get3A_288] : memref<102400xi32, #tpu.memory_space<vmem>>[vector<16xi32>], vector<16xi32>,
        %bitcast3A_290 = vector.bitcast %gather3A_289 : vector<16xi32> to vector<32xbf16>
        %unpack3A_291 = tpu.unpack_subelements %bitcast3A_290, 0 {pack_format = #tpu.pack_format<interleaved>} : vector<32xbf16> -> vector<16xf32>
        %unpack3A_292 = tpu.unpack_subelements %bitcast3A_290, 1 {pack_format = #tpu.pack_format<interleaved>} : vector<32xbf16> -> vector<16xf32>
        %add3A_293 = arith.addf %broadcast_in_dim3A_96, %unpack3A_291 : vector<16xf32>
        %add3A_294 = arith.addf %broadcast_in_dim3A_96, %unpack3A_292 : vector<16xf32>
        %get3A_295 = arith.constant 0 : i32
        %get3A_296 = arith.constant 0 : i32
        %get3A_297 = arith.index_cast %get3A_295 : i32 to index
        %get3A_298 = arith.index_cast %get3A_296 : i32 to index
        %get3A_299 = arith.index_cast %add3A_244 : i32 to index
        %get3A_300 = arith.constant 64 : index
        %get3A_301 = tpu.vector_load %arg9[%get3A_297, %get3A_298, %get3A_299, %get3A_300] {strides = array<i32>} : memref<2x2x16x128xi32, #tpu.memory_space<vmem>>, vector<16xi32>,
        %gather3A_302 = tpu.vector_load_idx %arg8[%get3A_301] : memref<102400xi32, #tpu.memory_space<vmem>>[vector<16xi32>], vector<16xi32>,
        %bitcast3A_303 = vector.bitcast %gather3A_302 : vector<16xi32> to vector<32xbf16>
        %unpack3A_304 = tpu.unpack_subelements %bitcast3A_303, 0 {pack_format = #tpu.pack_format<interleaved>} : vector<32xbf16> -> vector<16xf32>
        %unpack3A_305 = tpu.unpack_subelements %bitcast3A_303, 1 {pack_format = #tpu.pack_format<interleaved>} : vector<32xbf16> -> vector<16xf32>
        %add3A_306 = arith.addf %add3A_254, %unpack3A_304 : vector<16xf32>
        %add3A_307 = arith.addf %add3A_255, %unpack3A_305 : vector<16xf32>
        %get3A_308 = arith.constant 0 : i32
        %get3A_309 = arith.constant 0 : i32
        %get3A_310 = arith.index_cast %get3A_308 : i32 to index
        %get3A_311 = arith.index_cast %get3A_309 : i32 to index
        %get3A_312 = arith.index_cast %add3A_244 : i32 to index
        %get3A_313 = arith.constant 80 : index
        %get3A_314 = tpu.vector_load %arg9[%get3A_310, %get3A_311, %get3A_312, %get3A_313] {strides = array<i32>} : memref<2x2x16x128xi32, #tpu.memory_space<vmem>>, vector<16xi32>,
        %gather3A_315 = tpu.vector_load_idx %arg8[%get3A_314] : memref<102400xi32, #tpu.memory_space<vmem>>[vector<16xi32>], vector<16xi32>,
        %bitcast3A_316 = vector.bitcast %gather3A_315 : vector<16xi32> to vector<32xbf16>
        %unpack3A_317 = tpu.unpack_subelements %bitcast3A_316, 0 {pack_format = #tpu.pack_format<interleaved>} : vector<32xbf16> -> vector<16xf32>
        %unpack3A_318 = tpu.unpack_subelements %bitcast3A_316, 1 {pack_format = #tpu.pack_format<interleaved>} : vector<32xbf16> -> vector<16xf32>
        %add3A_319 = arith.addf %add3A_267, %unpack3A_317 : vector<16xf32>
        %add3A_320 = arith.addf %add3A_268, %unpack3A_318 : vector<16xf32>
        %get3A_321 = arith.constant 0 : i32
        %get3A_322 = arith.constant 0 : i32
        %get3A_323 = arith.index_cast %get3A_321 : i32 to index
        %get3A_324 = arith.index_cast %get3A_322 : i32 to index
        %get3A_325 = arith.index_cast %add3A_244 : i32 to index
        %get3A_326 = arith.constant 96 : index
        %get3A_327 = tpu.vector_load %arg9[%get3A_323, %get3A_324, %get3A_325, %get3A_326] {strides = array<i32>} : memref<2x2x16x128xi32, #tpu.memory_space<vmem>>, vector<16xi32>,
        %gather3A_328 = tpu.vector_load_idx %arg8[%get3A_327] : memref<102400xi32, #tpu.memory_space<vmem>>[vector<16xi32>], vector<16xi32>,
        %bitcast3A_329 = vector.bitcast %gather3A_328 : vector<16xi32> to vector<32xbf16>
        %unpack3A_330 = tpu.unpack_subelements %bitcast3A_329, 0 {pack_format = #tpu.pack_format<interleaved>} : vector<32xbf16> -> vector<16xf32>
        %unpack3A_331 = tpu.unpack_subelements %bitcast3A_329, 1 {pack_format = #tpu.pack_format<interleaved>} : vector<32xbf16> -> vector<16xf32>
        %add3A_332 = arith.addf %add3A_280, %unpack3A_330 : vector<16xf32>
        %add3A_333 = arith.addf %add3A_281, %unpack3A_331 : vector<16xf32>
        %get3A_334 = arith.constant 0 : i32
        %get3A_335 = arith.constant 0 : i32
        %get3A_336 = arith.index_cast %get3A_334 : i32 to index
        %get3A_337 = arith.index_cast %get3A_335 : i32 to index
        %get3A_338 = arith.index_cast %add3A_244 : i32 to index
        %get3A_339 = arith.constant 112 : index
        %get3A_340 = tpu.vector_load %arg9[%get3A_336, %get3A_337, %get3A_338, %get3A_339] {strides = array<i32>} : memref<2x2x16x128xi32, #tpu.memory_space<vmem>>, vector<16xi32>,
        %gather3A_341 = tpu.vector_load_idx %arg8[%get3A_340] : memref<102400xi32, #tpu.memory_space<vmem>>[vector<16xi32>], vector<16xi32>,
        %bitcast3A_342 = vector.bitcast %gather3A_341 : vector<16xi32> to vector<32xbf16>
        %unpack3A_343 = tpu.unpack_subelements %bitcast3A_342, 0 {pack_format = #tpu.pack_format<interleaved>} : vector<32xbf16> -> vector<16xf32>
        %unpack3A_344 = tpu.unpack_subelements %bitcast3A_342, 1 {pack_format = #tpu.pack_format<interleaved>} : vector<32xbf16> -> vector<16xf32>
        %add3A_345 = arith.addf %add3A_293, %unpack3A_343 : vector<16xf32>
        %add3A_346 = arith.addf %add3A_294, %unpack3A_344 : vector<16xf32>
        %get3A_347 = arith.constant 0 : i32
        %get3A_348 = arith.constant 1 : i32
        %get3A_349 = arith.index_cast %get3A_347 : i32 to index
        %get3A_350 = arith.index_cast %get3A_348 : i32 to index
        %get3A_351 = arith.index_cast %add3A_244 : i32 to index
        %get3A_352 = arith.constant 0 : index
        %get3A_353 = tpu.vector_load %arg9[%get3A_349, %get3A_350, %get3A_351, %get3A_352] {strides = array<i32>} : memref<2x2x16x128xi32, #tpu.memory_space<vmem>>, vector<16xi32>,
        %gather3A_354 = tpu.vector_load_idx %arg8[%get3A_353] : memref<102400xi32, #tpu.memory_space<vmem>>[vector<16xi32>], vector<16xi32>,
        %bitcast3A_355 = vector.bitcast %gather3A_354 : vector<16xi32> to vector<32xbf16>
        %unpack3A_356 = tpu.unpack_subelements %bitcast3A_355, 0 {pack_format = #tpu.pack_format<interleaved>} : vector<32xbf16> -> vector<16xf32>
        %unpack3A_357 = tpu.unpack_subelements %bitcast3A_355, 1 {pack_format = #tpu.pack_format<interleaved>} : vector<32xbf16> -> vector<16xf32>
        %add3A_358 = arith.addf %add3A_306, %unpack3A_356 : vector<16xf32>
        %add3A_359 = arith.addf %add3A_307, %unpack3A_357 : vector<16xf32>
        %get3A_360 = arith.constant 0 : i32
        %get3A_361 = arith.constant 1 : i32
        %get3A_362 = arith.index_cast %get3A_360 : i32 to index
        %get3A_363 = arith.index_cast %get3A_361 : i32 to index
        %get3A_364 = arith.index_cast %add3A_244 : i32 to index
        %get3A_365 = arith.constant 16 : index
        %get3A_366 = tpu.vector_load %arg9[%get3A_362, %get3A_363, %get3A_364, %get3A_365] {strides = array<i32>} : memref<2x2x16x128xi32, #tpu.memory_space<vmem>>, vector<16xi32>,
        %gather3A_367 = tpu.vector_load_idx %arg8[%get3A_366] : memref<102400xi32, #tpu.memory_space<vmem>>[vector<16xi32>], vector<16xi32>,
        %bitcast3A_368 = vector.bitcast %gather3A_367 : vector<16xi32> to vector<32xbf16>
        %unpack3A_369 = tpu.unpack_subelements %bitcast3A_368, 0 {pack_format = #tpu.pack_format<interleaved>} : vector<32xbf16> -> vector<16xf32>
        %unpack3A_370 = tpu.unpack_subelements %bitcast3A_368, 1 {pack_format = #tpu.pack_format<interleaved>} : vector<32xbf16> -> vector<16xf32>
        %add3A_371 = arith.addf %add3A_319, %unpack3A_369 : vector<16xf32>
        %add3A_372 = arith.addf %add3A_320, %unpack3A_370 : vector<16xf32>
        %get3A_373 = arith.constant 0 : i32
        %get3A_374 = arith.constant 1 : i32
        %get3A_375 = arith.index_cast %get3A_373 : i32 to index
        %get3A_376 = arith.index_cast %get3A_374 : i32 to index
        %get3A_377 = arith.index_cast %add3A_244 : i32 to index
        %get3A_378 = arith.constant 32 : index
        %get3A_379 = tpu.vector_load %arg9[%get3A_375, %get3A_376, %get3A_377, %get3A_378] {strides = array<i32>} : memref<2x2x16x128xi32, #tpu.memory_space<vmem>>, vector<16xi32>,
        %gather3A_380 = tpu.vector_load_idx %arg8[%get3A_379] : memref<102400xi32, #tpu.memory_space<vmem>>[vector<16xi32>], vector<16xi32>,
        %bitcast3A_381 = vector.bitcast %gather3A_380 : vector<16xi32> to vector<32xbf16>
        %unpack3A_382 = tpu.unpack_subelements %bitcast3A_381, 0 {pack_format = #tpu.pack_format<interleaved>} : vector<32xbf16> -> vector<16xf32>
        %unpack3A_383 = tpu.unpack_subelements %bitcast3A_381, 1 {pack_format = #tpu.pack_format<interleaved>} : vector<32xbf16> -> vector<16xf32>
        %add3A_384 = arith.addf %add3A_332, %unpack3A_382 : vector<16xf32>
        %add3A_385 = arith.addf %add3A_333, %unpack3A_383 : vector<16xf32>
        %get3A_386 = arith.constant 0 : i32
        %get3A_387 = arith.constant 1 : i32
        %get3A_388 = arith.index_cast %get3A_386 : i32 to index
        %get3A_389 = arith.index_cast %get3A_387 : i32 to index
        %get3A_390 = arith.index_cast %add3A_244 : i32 to index
        %get3A_391 = arith.constant 48 : index
        %get3A_392 = tpu.vector_load %arg9[%get3A_388, %get3A_389, %get3A_390, %get3A_391] {strides = array<i32>} : memref<2x2x16x128xi32, #tpu.memory_space<vmem>>, vector<16xi32>,
        %gather3A_393 = tpu.vector_load_idx %arg8[%get3A_392] : memref<102400xi32, #tpu.memory_space<vmem>>[vector<16xi32>], vector<16xi32>,
        %bitcast3A_394 = vector.bitcast %gather3A_393 : vector<16xi32> to vector<32xbf16>
        %unpack3A_395 = tpu.unpack_subelements %bitcast3A_394, 0 {pack_format = #tpu.pack_format<interleaved>} : vector<32xbf16> -> vector<16xf32>
        %unpack3A_396 = tpu.unpack_subelements %bitcast3A_394, 1 {pack_format = #tpu.pack_format<interleaved>} : vector<32xbf16> -> vector<16xf32>
        %add3A_397 = arith.addf %add3A_345, %unpack3A_395 : vector<16xf32>
        %add3A_398 = arith.addf %add3A_346, %unpack3A_396 : vector<16xf32>
        %get3A_399 = arith.constant 0 : i32
        %get3A_400 = arith.constant 1 : i32
        %get3A_401 = arith.index_cast %get3A_399 : i32 to index
        %get3A_402 = arith.index_cast %get3A_400 : i32 to index
        %get3A_403 = arith.index_cast %add3A_244 : i32 to index
        %get3A_404 = arith.constant 64 : index
        %get3A_405 = tpu.vector_load %arg9[%get3A_401, %get3A_402, %get3A_403, %get3A_404] {strides = array<i32>} : memref<2x2x16x128xi32, #tpu.memory_space<vmem>>, vector<16xi32>,
        %gather3A_406 = tpu.vector_load_idx %arg8[%get3A_405] : memref<102400xi32, #tpu.memory_space<vmem>>[vector<16xi32>], vector<16xi32>,
        %bitcast3A_407 = vector.bitcast %gather3A_406 : vector<16xi32> to vector<32xbf16>
        %unpack3A_408 = tpu.unpack_subelements %bitcast3A_407, 0 {pack_format = #tpu.pack_format<interleaved>} : vector<32xbf16> -> vector<16xf32>
        %unpack3A_409 = tpu.unpack_subelements %bitcast3A_407, 1 {pack_format = #tpu.pack_format<interleaved>} : vector<32xbf16> -> vector<16xf32>
        %add3A_410 = arith.addf %add3A_358, %unpack3A_408 : vector<16xf32>
        %add3A_411 = arith.addf %add3A_359, %unpack3A_409 : vector<16xf32>
        %add3A_412 = arith.addf %add3A_410, %add3A_371 : vector<16xf32>
        %add3A_413 = arith.addf %add3A_384, %add3A_397 : vector<16xf32>
        %add3A_414 = arith.addf %add3A_412, %add3A_413 : vector<16xf32>
        %broadcast_in_dim3A_415 = vector.shape_cast %and3A_77 : vector<16xi32> to vector<16x1xi32>
        %gather3A_416 = vector.shape_cast %broadcast_in_dim3A_415 : vector<16x1xi32> to vector<16xi32>
        %gather3A_417 = tpu.dynamic_gather %add3A_414[%gather3A_416] in [0] : vector<16xf32>, vector<16xi32> -> vector<16xf32>
        %add3A_418 = arith.addf %add3A_414, %gather3A_417 : vector<16xf32>
        %broadcast_in_dim3A_419 = vector.shape_cast %and3A_83 : vector<16xi32> to vector<16x1xi32>
        %gather3A_420 = vector.shape_cast %broadcast_in_dim3A_419 : vector<16x1xi32> to vector<16xi32>
        %gather3A_421 = tpu.dynamic_gather %add3A_418[%gather3A_420] in [0] : vector<16xf32>, vector<16xi32> -> vector<16xf32>
        %add3A_422 = arith.addf %add3A_418, %gather3A_421 : vector<16xf32>
        %broadcast_in_dim3A_423 = vector.shape_cast %and3A_89 : vector<16xi32> to vector<16x1xi32>
        %gather3A_424 = vector.shape_cast %broadcast_in_dim3A_423 : vector<16x1xi32> to vector<16xi32>
        %gather3A_425 = tpu.dynamic_gather %add3A_422[%gather3A_424] in [0] : vector<16xf32>, vector<16xi32> -> vector<16xf32>
        %add3A_426 = arith.addf %add3A_422, %gather3A_425 : vector<16xf32>
        %broadcast_in_dim3A_427 = vector.shape_cast %and3A_95 : vector<16xi32> to vector<16x1xi32>
        %gather3A_428 = vector.shape_cast %broadcast_in_dim3A_427 : vector<16x1xi32> to vector<16xi32>
        %gather3A_429 = tpu.dynamic_gather %add3A_426[%gather3A_428] in [0] : vector<16xf32>, vector<16xi32> -> vector<16xf32>
        %add3A_430 = arith.addf %add3A_426, %gather3A_429 : vector<16xf32>
        %add3A_431 = arith.addf %add3A_411, %add3A_372 : vector<16xf32>
        %add3A_432 = arith.addf %add3A_385, %add3A_398 : vector<16xf32>
        %add3A_433 = arith.addf %add3A_431, %add3A_432 : vector<16xf32>
        %broadcast_in_dim3A_434 = vector.shape_cast %and3A_77 : vector<16xi32> to vector<16x1xi32>
        %gather3A_435 = vector.shape_cast %broadcast_in_dim3A_434 : vector<16x1xi32> to vector<16xi32>
        %gather3A_436 = tpu.dynamic_gather %add3A_433[%gather3A_435] in [0] : vector<16xf32>, vector<16xi32> -> vector<16xf32>
        %add3A_437 = arith.addf %add3A_433, %gather3A_436 : vector<16xf32>
        %broadcast_in_dim3A_438 = vector.shape_cast %and3A_83 : vector<16xi32> to vector<16x1xi32>
        %gather3A_439 = vector.shape_cast %broadcast_in_dim3A_438 : vector<16x1xi32> to vector<16xi32>
        %gather3A_440 = tpu.dynamic_gather %add3A_437[%gather3A_439] in [0] : vector<16xf32>, vector<16xi32> -> vector<16xf32>
        %add3A_441 = arith.addf %add3A_437, %gather3A_440 : vector<16xf32>
        %broadcast_in_dim3A_442 = vector.shape_cast %and3A_89 : vector<16xi32> to vector<16x1xi32>
        %gather3A_443 = vector.shape_cast %broadcast_in_dim3A_442 : vector<16x1xi32> to vector<16xi32>
        %gather3A_444 = tpu.dynamic_gather %add3A_441[%gather3A_443] in [0] : vector<16xf32>, vector<16xi32> -> vector<16xf32>
        %add3A_445 = arith.addf %add3A_441, %gather3A_444 : vector<16xf32>
        %broadcast_in_dim3A_446 = vector.shape_cast %and3A_95 : vector<16xi32> to vector<16x1xi32>
        %gather3A_447 = vector.shape_cast %broadcast_in_dim3A_446 : vector<16x1xi32> to vector<16xi32>
        %gather3A_448 = tpu.dynamic_gather %add3A_445[%gather3A_447] in [0] : vector<16xf32>, vector<16xi32> -> vector<16xf32>
        %add3A_449 = arith.addf %add3A_445, %gather3A_448 : vector<16xf32>
        %eq3A_450 = vector.broadcast %add3A_244 : i32 to vector<16xi32>
        %eq3A_451 = arith.cmpi eq, %iota3A, %eq3A_450 : vector<16xi32>
        %select_n3A = arith.select %eq3A_451, %add3A_430, %scan3A_239 : vector<16xi1>, vector<16xf32>
        %eq3A_452 = vector.broadcast %add3A_244 : i32 to vector<16xi32>
        %eq3A_453 = arith.cmpi eq, %iota3A, %eq3A_452 : vector<16xi32>
        %select_n3A_454 = arith.select %eq3A_453, %add3A_449, %scan3A_240 : vector<16xi1>, vector<16xf32>
        %mul3A_455 = arith.constant 2 : i32
        %mul3A_456 = arith.muli %scan3A_238, %mul3A_455 : i32
        %add3A_457 = arith.constant 1 : i32
        %add3A_458 = arith.addi %mul3A_456, %add3A_457 : i32
        %get3A_459 = arith.constant 0 : i32
        %get3A_460 = arith.constant 0 : i32
        %get3A_461 = arith.index_cast %get3A_459 : i32 to index
        %get3A_462 = arith.index_cast %get3A_460 : i32 to index
        %get3A_463 = arith.index_cast %add3A_458 : i32 to index
        %get3A_464 = arith.constant 0 : index
        %get3A_465 = tpu.vector_load %arg9[%get3A_461, %get3A_462, %get3A_463, %get3A_464] {strides = array<i32>} : memref<2x2x16x128xi32, #tpu.memory_space<vmem>>, vector<16xi32>,
        %gather3A_466 = tpu.vector_load_idx %arg8[%get3A_465] : memref<102400xi32, #tpu.memory_space<vmem>>[vector<16xi32>], vector<16xi32>,
        %bitcast3A_467 = vector.bitcast %gather3A_466 : vector<16xi32> to vector<32xbf16>
        %unpack3A_468 = tpu.unpack_subelements %bitcast3A_467, 0 {pack_format = #tpu.pack_format<interleaved>} : vector<32xbf16> -> vector<16xf32>
        %unpack3A_469 = tpu.unpack_subelements %bitcast3A_467, 1 {pack_format = #tpu.pack_format<interleaved>} : vector<32xbf16> -> vector<16xf32>
        %add3A_470 = arith.addf %broadcast_in_dim3A_96, %unpack3A_468 : vector<16xf32>
        %add3A_471 = arith.addf %broadcast_in_dim3A_96, %unpack3A_469 : vector<16xf32>
        %get3A_472 = arith.constant 0 : i32
        %get3A_473 = arith.constant 0 : i32
        %get3A_474 = arith.index_cast %get3A_472 : i32 to index
        %get3A_475 = arith.index_cast %get3A_473 : i32 to index
        %get3A_476 = arith.index_cast %add3A_458 : i32 to index
        %get3A_477 = arith.constant 16 : index
        %get3A_478 = tpu.vector_load %arg9[%get3A_474, %get3A_475, %get3A_476, %get3A_477] {strides = array<i32>} : memref<2x2x16x128xi32, #tpu.memory_space<vmem>>, vector<16xi32>,
        %gather3A_479 = tpu.vector_load_idx %arg8[%get3A_478] : memref<102400xi32, #tpu.memory_space<vmem>>[vector<16xi32>], vector<16xi32>,
        %bitcast3A_480 = vector.bitcast %gather3A_479 : vector<16xi32> to vector<32xbf16>
        %unpack3A_481 = tpu.unpack_subelements %bitcast3A_480, 0 {pack_format = #tpu.pack_format<interleaved>} : vector<32xbf16> -> vector<16xf32>
        %unpack3A_482 = tpu.unpack_subelements %bitcast3A_480, 1 {pack_format = #tpu.pack_format<interleaved>} : vector<32xbf16> -> vector<16xf32>
        %add3A_483 = arith.addf %broadcast_in_dim3A_96, %unpack3A_481 : vector<16xf32>
        %add3A_484 = arith.addf %broadcast_in_dim3A_96, %unpack3A_482 : vector<16xf32>
        %get3A_485 = arith.constant 0 : i32
        %get3A_486 = arith.constant 0 : i32
        %get3A_487 = arith.index_cast %get3A_485 : i32 to index
        %get3A_488 = arith.index_cast %get3A_486 : i32 to index
        %get3A_489 = arith.index_cast %add3A_458 : i32 to index
        %get3A_490 = arith.constant 32 : index
        %get3A_491 = tpu.vector_load %arg9[%get3A_487, %get3A_488, %get3A_489, %get3A_490] {strides = array<i32>} : memref<2x2x16x128xi32, #tpu.memory_space<vmem>>, vector<16xi32>,
        %gather3A_492 = tpu.vector_load_idx %arg8[%get3A_491] : memref<102400xi32, #tpu.memory_space<vmem>>[vector<16xi32>], vector<16xi32>,
        %bitcast3A_493 = vector.bitcast %gather3A_492 : vector<16xi32> to vector<32xbf16>
        %unpack3A_494 = tpu.unpack_subelements %bitcast3A_493, 0 {pack_format = #tpu.pack_format<interleaved>} : vector<32xbf16> -> vector<16xf32>
        %unpack3A_495 = tpu.unpack_subelements %bitcast3A_493, 1 {pack_format = #tpu.pack_format<interleaved>} : vector<32xbf16> -> vector<16xf32>
        %add3A_496 = arith.addf %broadcast_in_dim3A_96, %unpack3A_494 : vector<16xf32>
        %add3A_497 = arith.addf %broadcast_in_dim3A_96, %unpack3A_495 : vector<16xf32>
        %get3A_498 = arith.constant 0 : i32
        %get3A_499 = arith.constant 0 : i32
        %get3A_500 = arith.index_cast %get3A_498 : i32 to index
        %get3A_501 = arith.index_cast %get3A_499 : i32 to index
        %get3A_502 = arith.index_cast %add3A_458 : i32 to index
        %get3A_503 = arith.constant 48 : index
        %get3A_504 = tpu.vector_load %arg9[%get3A_500, %get3A_501, %get3A_502, %get3A_503] {strides = array<i32>} : memref<2x2x16x128xi32, #tpu.memory_space<vmem>>, vector<16xi32>,
        %gather3A_505 = tpu.vector_load_idx %arg8[%get3A_504] : memref<102400xi32, #tpu.memory_space<vmem>>[vector<16xi32>], vector<16xi32>,
        %bitcast3A_506 = vector.bitcast %gather3A_505 : vector<16xi32> to vector<32xbf16>
        %unpack3A_507 = tpu.unpack_subelements %bitcast3A_506, 0 {pack_format = #tpu.pack_format<interleaved>} : vector<32xbf16> -> vector<16xf32>
        %unpack3A_508 = tpu.unpack_subelements %bitcast3A_506, 1 {pack_format = #tpu.pack_format<interleaved>} : vector<32xbf16> -> vector<16xf32>
        %add3A_509 = arith.addf %broadcast_in_dim3A_96, %unpack3A_507 : vector<16xf32>
        %add3A_510 = arith.addf %broadcast_in_dim3A_96, %unpack3A_508 : vector<16xf32>
        %get3A_511 = arith.constant 0 : i32
        %get3A_512 = arith.constant 0 : i32
        %get3A_513 = arith.index_cast %get3A_511 : i32 to index
        %get3A_514 = arith.index_cast %get3A_512 : i32 to index
        %get3A_515 = arith.index_cast %add3A_458 : i32 to index
        %get3A_516 = arith.constant 64 : index
        %get3A_517 = tpu.vector_load %arg9[%get3A_513, %get3A_514, %get3A_515, %get3A_516] {strides = array<i32>} : memref<2x2x16x128xi32, #tpu.memory_space<vmem>>, vector<16xi32>,
        %gather3A_518 = tpu.vector_load_idx %arg8[%get3A_517] : memref<102400xi32, #tpu.memory_space<vmem>>[vector<16xi32>], vector<16xi32>,
        %bitcast3A_519 = vector.bitcast %gather3A_518 : vector<16xi32> to vector<32xbf16>
        %unpack3A_520 = tpu.unpack_subelements %bitcast3A_519, 0 {pack_format = #tpu.pack_format<interleaved>} : vector<32xbf16> -> vector<16xf32>
        %unpack3A_521 = tpu.unpack_subelements %bitcast3A_519, 1 {pack_format = #tpu.pack_format<interleaved>} : vector<32xbf16> -> vector<16xf32>
        %add3A_522 = arith.addf %add3A_470, %unpack3A_520 : vector<16xf32>
        %add3A_523 = arith.addf %add3A_471, %unpack3A_521 : vector<16xf32>
        %get3A_524 = arith.constant 0 : i32
        %get3A_525 = arith.constant 0 : i32
        %get3A_526 = arith.index_cast %get3A_524 : i32 to index
        %get3A_527 = arith.index_cast %get3A_525 : i32 to index
        %get3A_528 = arith.index_cast %add3A_458 : i32 to index
        %get3A_529 = arith.constant 80 : index
        %get3A_530 = tpu.vector_load %arg9[%get3A_526, %get3A_527, %get3A_528, %get3A_529] {strides = array<i32>} : memref<2x2x16x128xi32, #tpu.memory_space<vmem>>, vector<16xi32>,
        %gather3A_531 = tpu.vector_load_idx %arg8[%get3A_530] : memref<102400xi32, #tpu.memory_space<vmem>>[vector<16xi32>], vector<16xi32>,
        %bitcast3A_532 = vector.bitcast %gather3A_531 : vector<16xi32> to vector<32xbf16>
        %unpack3A_533 = tpu.unpack_subelements %bitcast3A_532, 0 {pack_format = #tpu.pack_format<interleaved>} : vector<32xbf16> -> vector<16xf32>
        %unpack3A_534 = tpu.unpack_subelements %bitcast3A_532, 1 {pack_format = #tpu.pack_format<interleaved>} : vector<32xbf16> -> vector<16xf32>
        %add3A_535 = arith.addf %add3A_483, %unpack3A_533 : vector<16xf32>
        %add3A_536 = arith.addf %add3A_484, %unpack3A_534 : vector<16xf32>
        %get3A_537 = arith.constant 0 : i32
        %get3A_538 = arith.constant 0 : i32
        %get3A_539 = arith.index_cast %get3A_537 : i32 to index
        %get3A_540 = arith.index_cast %get3A_538 : i32 to index
        %get3A_541 = arith.index_cast %add3A_458 : i32 to index
        %get3A_542 = arith.constant 96 : index
        %get3A_543 = tpu.vector_load %arg9[%get3A_539, %get3A_540, %get3A_541, %get3A_542] {strides = array<i32>} : memref<2x2x16x128xi32, #tpu.memory_space<vmem>>, vector<16xi32>,
        %gather3A_544 = tpu.vector_load_idx %arg8[%get3A_543] : memref<102400xi32, #tpu.memory_space<vmem>>[vector<16xi32>], vector<16xi32>,
        %bitcast3A_545 = vector.bitcast %gather3A_544 : vector<16xi32> to vector<32xbf16>
        %unpack3A_546 = tpu.unpack_subelements %bitcast3A_545, 0 {pack_format = #tpu.pack_format<interleaved>} : vector<32xbf16> -> vector<16xf32>
        %unpack3A_547 = tpu.unpack_subelements %bitcast3A_545, 1 {pack_format = #tpu.pack_format<interleaved>} : vector<32xbf16> -> vector<16xf32>
        %add3A_548 = arith.addf %add3A_496, %unpack3A_546 : vector<16xf32>
        %add3A_549 = arith.addf %add3A_497, %unpack3A_547 : vector<16xf32>
        %get3A_550 = arith.constant 0 : i32
        %get3A_551 = arith.constant 0 : i32
        %get3A_552 = arith.index_cast %get3A_550 : i32 to index
        %get3A_553 = arith.index_cast %get3A_551 : i32 to index
        %get3A_554 = arith.index_cast %add3A_458 : i32 to index
        %get3A_555 = arith.constant 112 : index
        %get3A_556 = tpu.vector_load %arg9[%get3A_552, %get3A_553, %get3A_554, %get3A_555] {strides = array<i32>} : memref<2x2x16x128xi32, #tpu.memory_space<vmem>>, vector<16xi32>,
        %gather3A_557 = tpu.vector_load_idx %arg8[%get3A_556] : memref<102400xi32, #tpu.memory_space<vmem>>[vector<16xi32>], vector<16xi32>,
        %bitcast3A_558 = vector.bitcast %gather3A_557 : vector<16xi32> to vector<32xbf16>
        %unpack3A_559 = tpu.unpack_subelements %bitcast3A_558, 0 {pack_format = #tpu.pack_format<interleaved>} : vector<32xbf16> -> vector<16xf32>
        %unpack3A_560 = tpu.unpack_subelements %bitcast3A_558, 1 {pack_format = #tpu.pack_format<interleaved>} : vector<32xbf16> -> vector<16xf32>
        %add3A_561 = arith.addf %add3A_509, %unpack3A_559 : vector<16xf32>
        %add3A_562 = arith.addf %add3A_510, %unpack3A_560 : vector<16xf32>
        %get3A_563 = arith.constant 0 : i32
        %get3A_564 = arith.constant 1 : i32
        %get3A_565 = arith.index_cast %get3A_563 : i32 to index
        %get3A_566 = arith.index_cast %get3A_564 : i32 to index
        %get3A_567 = arith.index_cast %add3A_458 : i32 to index
        %get3A_568 = arith.constant 0 : index
        %get3A_569 = tpu.vector_load %arg9[%get3A_565, %get3A_566, %get3A_567, %get3A_568] {strides = array<i32>} : memref<2x2x16x128xi32, #tpu.memory_space<vmem>>, vector<16xi32>,
        %gather3A_570 = tpu.vector_load_idx %arg8[%get3A_569] : memref<102400xi32, #tpu.memory_space<vmem>>[vector<16xi32>], vector<16xi32>,
        %bitcast3A_571 = vector.bitcast %gather3A_570 : vector<16xi32> to vector<32xbf16>
        %unpack3A_572 = tpu.unpack_subelements %bitcast3A_571, 0 {pack_format = #tpu.pack_format<interleaved>} : vector<32xbf16> -> vector<16xf32>
        %unpack3A_573 = tpu.unpack_subelements %bitcast3A_571, 1 {pack_format = #tpu.pack_format<interleaved>} : vector<32xbf16> -> vector<16xf32>
        %add3A_574 = arith.addf %add3A_522, %unpack3A_572 : vector<16xf32>
        %add3A_575 = arith.addf %add3A_523, %unpack3A_573 : vector<16xf32>
        %get3A_576 = arith.constant 0 : i32
        %get3A_577 = arith.constant 1 : i32
        %get3A_578 = arith.index_cast %get3A_576 : i32 to index
        %get3A_579 = arith.index_cast %get3A_577 : i32 to index
        %get3A_580 = arith.index_cast %add3A_458 : i32 to index
        %get3A_581 = arith.constant 16 : index
        %get3A_582 = tpu.vector_load %arg9[%get3A_578, %get3A_579, %get3A_580, %get3A_581] {strides = array<i32>} : memref<2x2x16x128xi32, #tpu.memory_space<vmem>>, vector<16xi32>,
        %gather3A_583 = tpu.vector_load_idx %arg8[%get3A_582] : memref<102400xi32, #tpu.memory_space<vmem>>[vector<16xi32>], vector<16xi32>,
        %bitcast3A_584 = vector.bitcast %gather3A_583 : vector<16xi32> to vector<32xbf16>
        %unpack3A_585 = tpu.unpack_subelements %bitcast3A_584, 0 {pack_format = #tpu.pack_format<interleaved>} : vector<32xbf16> -> vector<16xf32>
        %unpack3A_586 = tpu.unpack_subelements %bitcast3A_584, 1 {pack_format = #tpu.pack_format<interleaved>} : vector<32xbf16> -> vector<16xf32>
        %add3A_587 = arith.addf %add3A_535, %unpack3A_585 : vector<16xf32>
        %add3A_588 = arith.addf %add3A_536, %unpack3A_586 : vector<16xf32>
        %get3A_589 = arith.constant 0 : i32
        %get3A_590 = arith.constant 1 : i32
        %get3A_591 = arith.index_cast %get3A_589 : i32 to index
        %get3A_592 = arith.index_cast %get3A_590 : i32 to index
        %get3A_593 = arith.index_cast %add3A_458 : i32 to index
        %get3A_594 = arith.constant 32 : index
        %get3A_595 = tpu.vector_load %arg9[%get3A_591, %get3A_592, %get3A_593, %get3A_594] {strides = array<i32>} : memref<2x2x16x128xi32, #tpu.memory_space<vmem>>, vector<16xi32>,
        %gather3A_596 = tpu.vector_load_idx %arg8[%get3A_595] : memref<102400xi32, #tpu.memory_space<vmem>>[vector<16xi32>], vector<16xi32>,
        %bitcast3A_597 = vector.bitcast %gather3A_596 : vector<16xi32> to vector<32xbf16>
        %unpack3A_598 = tpu.unpack_subelements %bitcast3A_597, 0 {pack_format = #tpu.pack_format<interleaved>} : vector<32xbf16> -> vector<16xf32>
        %unpack3A_599 = tpu.unpack_subelements %bitcast3A_597, 1 {pack_format = #tpu.pack_format<interleaved>} : vector<32xbf16> -> vector<16xf32>
        %add3A_600 = arith.addf %add3A_548, %unpack3A_598 : vector<16xf32>
        %add3A_601 = arith.addf %add3A_549, %unpack3A_599 : vector<16xf32>
        %get3A_602 = arith.constant 0 : i32
        %get3A_603 = arith.constant 1 : i32
        %get3A_604 = arith.index_cast %get3A_602 : i32 to index
        %get3A_605 = arith.index_cast %get3A_603 : i32 to index
        %get3A_606 = arith.index_cast %add3A_458 : i32 to index
        %get3A_607 = arith.constant 48 : index
        %get3A_608 = tpu.vector_load %arg9[%get3A_604, %get3A_605, %get3A_606, %get3A_607] {strides = array<i32>} : memref<2x2x16x128xi32, #tpu.memory_space<vmem>>, vector<16xi32>,
        %gather3A_609 = tpu.vector_load_idx %arg8[%get3A_608] : memref<102400xi32, #tpu.memory_space<vmem>>[vector<16xi32>], vector<16xi32>,
        %bitcast3A_610 = vector.bitcast %gather3A_609 : vector<16xi32> to vector<32xbf16>
        %unpack3A_611 = tpu.unpack_subelements %bitcast3A_610, 0 {pack_format = #tpu.pack_format<interleaved>} : vector<32xbf16> -> vector<16xf32>
        %unpack3A_612 = tpu.unpack_subelements %bitcast3A_610, 1 {pack_format = #tpu.pack_format<interleaved>} : vector<32xbf16> -> vector<16xf32>
        %add3A_613 = arith.addf %add3A_561, %unpack3A_611 : vector<16xf32>
        %add3A_614 = arith.addf %add3A_562, %unpack3A_612 : vector<16xf32>
        %get3A_615 = arith.constant 0 : i32
        %get3A_616 = arith.constant 1 : i32
        %get3A_617 = arith.index_cast %get3A_615 : i32 to index
        %get3A_618 = arith.index_cast %get3A_616 : i32 to index
        %get3A_619 = arith.index_cast %add3A_458 : i32 to index
        %get3A_620 = arith.constant 64 : index
        %get3A_621 = tpu.vector_load %arg9[%get3A_617, %get3A_618, %get3A_619, %get3A_620] {strides = array<i32>} : memref<2x2x16x128xi32, #tpu.memory_space<vmem>>, vector<16xi32>,
        %gather3A_622 = tpu.vector_load_idx %arg8[%get3A_621] : memref<102400xi32, #tpu.memory_space<vmem>>[vector<16xi32>], vector<16xi32>,
        %bitcast3A_623 = vector.bitcast %gather3A_622 : vector<16xi32> to vector<32xbf16>
        %unpack3A_624 = tpu.unpack_subelements %bitcast3A_623, 0 {pack_format = #tpu.pack_format<interleaved>} : vector<32xbf16> -> vector<16xf32>
        %unpack3A_625 = tpu.unpack_subelements %bitcast3A_623, 1 {pack_format = #tpu.pack_format<interleaved>} : vector<32xbf16> -> vector<16xf32>
        %add3A_626 = arith.addf %add3A_574, %unpack3A_624 : vector<16xf32>
        %add3A_627 = arith.addf %add3A_575, %unpack3A_625 : vector<16xf32>
        %add3A_628 = arith.addf %add3A_626, %add3A_587 : vector<16xf32>
        %add3A_629 = arith.addf %add3A_600, %add3A_613 : vector<16xf32>
        %add3A_630 = arith.addf %add3A_628, %add3A_629 : vector<16xf32>
        %broadcast_in_dim3A_631 = vector.shape_cast %and3A_77 : vector<16xi32> to vector<16x1xi32>
        %gather3A_632 = vector.shape_cast %broadcast_in_dim3A_631 : vector<16x1xi32> to vector<16xi32>
        %gather3A_633 = tpu.dynamic_gather %add3A_630[%gather3A_632] in [0] : vector<16xf32>, vector<16xi32> -> vector<16xf32>
        %add3A_634 = arith.addf %add3A_630, %gather3A_633 : vector<16xf32>
        %broadcast_in_dim3A_635 = vector.shape_cast %and3A_83 : vector<16xi32> to vector<16x1xi32>
        %gather3A_636 = vector.shape_cast %broadcast_in_dim3A_635 : vector<16x1xi32> to vector<16xi32>
        %gather3A_637 = tpu.dynamic_gather %add3A_634[%gather3A_636] in [0] : vector<16xf32>, vector<16xi32> -> vector<16xf32>
        %add3A_638 = arith.addf %add3A_634, %gather3A_637 : vector<16xf32>
        %broadcast_in_dim3A_639 = vector.shape_cast %and3A_89 : vector<16xi32> to vector<16x1xi32>
        %gather3A_640 = vector.shape_cast %broadcast_in_dim3A_639 : vector<16x1xi32> to vector<16xi32>
        %gather3A_641 = tpu.dynamic_gather %add3A_638[%gather3A_640] in [0] : vector<16xf32>, vector<16xi32> -> vector<16xf32>
        %add3A_642 = arith.addf %add3A_638, %gather3A_641 : vector<16xf32>
        %broadcast_in_dim3A_643 = vector.shape_cast %and3A_95 : vector<16xi32> to vector<16x1xi32>
        %gather3A_644 = vector.shape_cast %broadcast_in_dim3A_643 : vector<16x1xi32> to vector<16xi32>
        %gather3A_645 = tpu.dynamic_gather %add3A_642[%gather3A_644] in [0] : vector<16xf32>, vector<16xi32> -> vector<16xf32>
        %add3A_646 = arith.addf %add3A_642, %gather3A_645 : vector<16xf32>
        %add3A_647 = arith.addf %add3A_627, %add3A_588 : vector<16xf32>
        %add3A_648 = arith.addf %add3A_601, %add3A_614 : vector<16xf32>
        %add3A_649 = arith.addf %add3A_647, %add3A_648 : vector<16xf32>
        %broadcast_in_dim3A_650 = vector.shape_cast %and3A_77 : vector<16xi32> to vector<16x1xi32>
        %gather3A_651 = vector.shape_cast %broadcast_in_dim3A_650 : vector<16x1xi32> to vector<16xi32>
        %gather3A_652 = tpu.dynamic_gather %add3A_649[%gather3A_651] in [0] : vector<16xf32>, vector<16xi32> -> vector<16xf32>
        %add3A_653 = arith.addf %add3A_649, %gather3A_652 : vector<16xf32>
        %broadcast_in_dim3A_654 = vector.shape_cast %and3A_83 : vector<16xi32> to vector<16x1xi32>
        %gather3A_655 = vector.shape_cast %broadcast_in_dim3A_654 : vector<16x1xi32> to vector<16xi32>
        %gather3A_656 = tpu.dynamic_gather %add3A_653[%gather3A_655] in [0] : vector<16xf32>, vector<16xi32> -> vector<16xf32>
        %add3A_657 = arith.addf %add3A_653, %gather3A_656 : vector<16xf32>
        %broadcast_in_dim3A_658 = vector.shape_cast %and3A_89 : vector<16xi32> to vector<16x1xi32>
        %gather3A_659 = vector.shape_cast %broadcast_in_dim3A_658 : vector<16x1xi32> to vector<16xi32>
        %gather3A_660 = tpu.dynamic_gather %add3A_657[%gather3A_659] in [0] : vector<16xf32>, vector<16xi32> -> vector<16xf32>
        %add3A_661 = arith.addf %add3A_657, %gather3A_660 : vector<16xf32>
        %broadcast_in_dim3A_662 = vector.shape_cast %and3A_95 : vector<16xi32> to vector<16x1xi32>
        %gather3A_663 = vector.shape_cast %broadcast_in_dim3A_662 : vector<16x1xi32> to vector<16xi32>
        %gather3A_664 = tpu.dynamic_gather %add3A_661[%gather3A_663] in [0] : vector<16xf32>, vector<16xi32> -> vector<16xf32>
        %add3A_665 = arith.addf %add3A_661, %gather3A_664 : vector<16xf32>
        %eq3A_666 = vector.broadcast %add3A_458 : i32 to vector<16xi32>
        %eq3A_667 = arith.cmpi eq, %iota3A, %eq3A_666 : vector<16xi32>
        %select_n3A_668 = arith.select %eq3A_667, %add3A_646, %select_n3A : vector<16xi1>, vector<16xf32>
        %eq3A_669 = vector.broadcast %add3A_458 : i32 to vector<16xi32>
        %eq3A_670 = arith.cmpi eq, %iota3A, %eq3A_669 : vector<16xi32>
        %select_n3A_671 = arith.select %eq3A_670, %add3A_665, %select_n3A_454 : vector<16xi1>, vector<16xf32>
        scf.yield %select_n3A_668, %select_n3A_671 : vector<16xf32>, vector<16xf32>
      }
      %scan3A_155 = arith.constant 8 : i32
      %add3A_156 = arith.constant 2 : i32
      %add3A_157 = arith.addi %add3A_121, %add3A_156 : i32
      %lt3A = arith.constant 8 : i32
      %lt3A_158 = arith.cmpi slt, %add3A_157, %lt3A : i32
      %convert_element_type3A_159 = arith.extui %lt3A_158 : i1 to i32
      %cond3A_160 = arith.constant 0 : i32
      %cond3A_161 = arith.cmpi ne, %convert_element_type3A_159, %cond3A_160 : i32
      scf.if %cond3A_161 {
        %add3A_238 = arith.constant 2 : i32
        %add3A_239 = arith.addi %add3A_121, %add3A_238 : i32
        %mul3A_240 = arith.constant 16 : i32
        %mul3A_241 = arith.muli %add3A_239, %mul3A_240 : i32
        %add3A_242 = arith.addi %mul3A_2, %mul3A_241 : i32
        %dma_start3A_243 = arith.constant 0 : i32
        %dma_start3A_244 = arith.constant 0 : i32
        %dma_start3A_245 = arith.constant 0 : i32
        %dma_start3A_246 = arith.constant 0 : i32
        %dma_start3A_247 = tpu.memref_slice %arg9[%dma_start3A_243, %dma_start3A_244, %dma_start3A_245, %dma_start3A_246] : memref<2x2x16x128xi32, #tpu.memory_space<vmem>> -> memref<1x1x16x128xi32, #tpu.memory_space<vmem>>
        %dma_start3A_248 = tpu.memref_squeeze %dma_start3A_247 : memref<1x1x16x128xi32, #tpu.memory_space<vmem>> -> memref<16x128xi32, #tpu.memory_space<vmem>>
        %dma_start3A_249 = arith.constant 0 : i32
        %dma_start3A_250 = tpu.memref_slice %arg3[%add3A_242, %dma_start3A_249] : memref<4096x128xi32, #tpu.memory_space<hbm>> -> memref<16x128xi32, #tpu.memory_space<hbm>>
        %dma_start3A_251 = arith.constant 0 : i32
        %dma_start3A_252 = arith.constant 0 : i32
        %dma_start3A_253 = tpu.memref_slice %arg9[%dma_start3A_243, %dma_start3A_244, %dma_start3A_251, %dma_start3A_252] : memref<2x2x16x128xi32, #tpu.memory_space<vmem>> -> memref<1x1x16x128xi32, #tpu.memory_space<vmem>>
        %dma_start3A_254 = tpu.memref_squeeze %dma_start3A_253 : memref<1x1x16x128xi32, #tpu.memory_space<vmem>> -> memref<16x128xi32, #tpu.memory_space<vmem>>
        %dma_start3A_255 = arith.constant 0 : i32
        %dma_start3A_256 = tpu.memref_slice %arg3[%add3A_242, %dma_start3A_255] : memref<4096x128xi32, #tpu.memory_space<hbm>> -> memref<16x128xi32, #tpu.memory_space<hbm>>
        tpu.enqueue_dma source(%dma_start3A_256 : memref<16x128xi32, #tpu.memory_space<hbm>>) target(%dma_start3A_254 : memref<16x128xi32, #tpu.memory_space<vmem>>) target_semaphore(%arg14 : memref<!tpu.dma_semaphore, #tpu.memory_space<semaphore_mem>>)
        %dma_start3A_257 = arith.constant 0 : i32
        %dma_start3A_258 = arith.constant 1 : i32
        %dma_start3A_259 = arith.constant 0 : i32
        %dma_start3A_260 = arith.constant 0 : i32
        %dma_start3A_261 = tpu.memref_slice %arg9[%dma_start3A_257, %dma_start3A_258, %dma_start3A_259, %dma_start3A_260] : memref<2x2x16x128xi32, #tpu.memory_space<vmem>> -> memref<1x1x16x128xi32, #tpu.memory_space<vmem>>
        %dma_start3A_262 = tpu.memref_squeeze %dma_start3A_261 : memref<1x1x16x128xi32, #tpu.memory_space<vmem>> -> memref<16x128xi32, #tpu.memory_space<vmem>>
        %dma_start3A_263 = arith.constant 0 : i32
        %dma_start3A_264 = tpu.memref_slice %arg4[%add3A_242, %dma_start3A_263] : memref<4096x128xi32, #tpu.memory_space<hbm>> -> memref<16x128xi32, #tpu.memory_space<hbm>>
        %dma_start3A_265 = arith.constant 0 : i32
        %dma_start3A_266 = arith.constant 0 : i32
        %dma_start3A_267 = tpu.memref_slice %arg9[%dma_start3A_257, %dma_start3A_258, %dma_start3A_265, %dma_start3A_266] : memref<2x2x16x128xi32, #tpu.memory_space<vmem>> -> memref<1x1x16x128xi32, #tpu.memory_space<vmem>>
        %dma_start3A_268 = tpu.memref_squeeze %dma_start3A_267 : memref<1x1x16x128xi32, #tpu.memory_space<vmem>> -> memref<16x128xi32, #tpu.memory_space<vmem>>
        %dma_start3A_269 = arith.constant 0 : i32
        %dma_start3A_270 = tpu.memref_slice %arg4[%add3A_242, %dma_start3A_269] : memref<4096x128xi32, #tpu.memory_space<hbm>> -> memref<16x128xi32, #tpu.memory_space<hbm>>
        tpu.enqueue_dma source(%dma_start3A_270 : memref<16x128xi32, #tpu.memory_space<hbm>>) target(%dma_start3A_268 : memref<16x128xi32, #tpu.memory_space<vmem>>) target_semaphore(%arg14 : memref<!tpu.dma_semaphore, #tpu.memory_space<semaphore_mem>>)
      } else {
      }
      %mul3A_162 = arith.constant 16 : i32
      %mul3A_163 = arith.muli %add3A_121, %mul3A_162 : i32
      %get3A_164 = arith.index_cast %mul3A_163 : i32 to index
      %get3A_165 = tpu.vector_load %arg10[%get3A_164] {strides = array<i32>} : memref<128xf32, #tpu.memory_space<vmem>>, vector<16xf32>,
      %mul3A_166 = arith.mulf %scan3A_154#0, %get3A_165 : vector<16xf32>
      %add3A_167 = arith.addf %mul3A_166, %gather3A_101 : vector<16xf32>
      %swap3A = arith.constant 0 : i32
      %swap3A_168 = arith.index_cast %swap3A : i32 to index
      %swap3A_169 = arith.index_cast %mul3A_163 : i32 to index
      %swap3A_170 = tpu.vector_load %arg12[%swap3A_168, %swap3A_169] {strides = array<i32>} : memref<2x128xf32, #tpu.memory_space<vmem>>, vector<16xf32>,
      tpu.vector_store %arg12[%swap3A_168, %swap3A_169], %add3A_167 {strides = array<i32>} : memref<2x128xf32, #tpu.memory_space<vmem>>, vector<16xf32>,
      %mul3A_171 = arith.mulf %scan3A_154#1, %get3A_165 : vector<16xf32>
      %add3A_172 = arith.addf %mul3A_171, %gather3A_108 : vector<16xf32>
      %swap3A_173 = arith.constant 1 : i32
      %swap3A_174 = arith.index_cast %swap3A_173 : i32 to index
      %swap3A_175 = arith.index_cast %mul3A_163 : i32 to index
      %swap3A_176 = tpu.vector_load %arg12[%swap3A_174, %swap3A_175] {strides = array<i32>} : memref<2x128xf32, #tpu.memory_space<vmem>>, vector<16xf32>,
      tpu.vector_store %arg12[%swap3A_174, %swap3A_175], %add3A_172 {strides = array<i32>} : memref<2x128xf32, #tpu.memory_space<vmem>>, vector<16xf32>,
      %mul3A_177 = arith.constant 2 : i32
      %mul3A_178 = arith.muli %scan3A_117, %mul3A_177 : i32
      %add3A_179 = arith.constant 1 : i32
      %add3A_180 = arith.addi %mul3A_178, %add3A_179 : i32
      %dma_wait3A_181 = arith.constant 1 : i32
      %dma_wait3A_182 = arith.constant 0 : i32
      %dma_wait3A_183 = arith.constant 0 : i32
      %dma_wait3A_184 = arith.constant 0 : i32
      %dma_wait3A_185 = tpu.memref_slice %arg9[%dma_wait3A_181, %dma_wait3A_182, %dma_wait3A_183, %dma_wait3A_184] : memref<2x2x16x128xi32, #tpu.memory_space<vmem>> -> memref<1x1x16x128xi32, #tpu.memory_space<vmem>>
      %dma_wait3A_186 = tpu.memref_squeeze %dma_wait3A_185 : memref<1x1x16x128xi32, #tpu.memory_space<vmem>> -> memref<16x128xi32, #tpu.memory_space<vmem>>
      %dma_wait3A_187 = arith.constant 0 : i32
      %dma_wait3A_188 = tpu.memref_slice %arg3[%mul3A_2, %dma_wait3A_187] : memref<4096x128xi32, #tpu.memory_space<hbm>> -> memref<16x128xi32, #tpu.memory_space<hbm>>
      %dma_wait3A_189 = arith.constant 0 : i32
      %dma_wait3A_190 = arith.constant 0 : i32
      %dma_wait3A_191 = tpu.memref_slice %arg9[%dma_wait3A_181, %dma_wait3A_182, %dma_wait3A_189, %dma_wait3A_190] : memref<2x2x16x128xi32, #tpu.memory_space<vmem>> -> memref<1x1x16x128xi32, #tpu.memory_space<vmem>>
      %dma_wait3A_192 = tpu.memref_squeeze %dma_wait3A_191 : memref<1x1x16x128xi32, #tpu.memory_space<vmem>> -> memref<16x128xi32, #tpu.memory_space<vmem>>
      %dma_wait3A_193 = arith.constant 0 : i32
      %dma_wait3A_194 = tpu.memref_slice %arg3[%mul3A_2, %dma_wait3A_193] : memref<4096x128xi32, #tpu.memory_space<hbm>> -> memref<16x128xi32, #tpu.memory_space<hbm>>
      tpu.wait_dma2 semaphore(%arg15 : memref<!tpu.dma_semaphore, #tpu.memory_space<semaphore_mem>>) src(%dma_wait3A_194 : memref<16x128xi32, #tpu.memory_space<hbm>>) dst(%dma_wait3A_192 : memref<16x128xi32, #tpu.memory_space<vmem>>)
      %dma_wait3A_195 = arith.constant 1 : i32
      %dma_wait3A_196 = arith.constant 1 : i32
      %dma_wait3A_197 = arith.constant 0 : i32
      %dma_wait3A_198 = arith.constant 0 : i32
      %dma_wait3A_199 = tpu.memref_slice %arg9[%dma_wait3A_195, %dma_wait3A_196, %dma_wait3A_197, %dma_wait3A_198] : memref<2x2x16x128xi32, #tpu.memory_space<vmem>> -> memref<1x1x16x128xi32, #tpu.memory_space<vmem>>
      %dma_wait3A_200 = tpu.memref_squeeze %dma_wait3A_199 : memref<1x1x16x128xi32, #tpu.memory_space<vmem>> -> memref<16x128xi32, #tpu.memory_space<vmem>>
      %dma_wait3A_201 = arith.constant 0 : i32
      %dma_wait3A_202 = tpu.memref_slice %arg4[%mul3A_2, %dma_wait3A_201] : memref<4096x128xi32, #tpu.memory_space<hbm>> -> memref<16x128xi32, #tpu.memory_space<hbm>>
      %dma_wait3A_203 = arith.constant 0 : i32
      %dma_wait3A_204 = arith.constant 0 : i32
      %dma_wait3A_205 = tpu.memref_slice %arg9[%dma_wait3A_195, %dma_wait3A_196, %dma_wait3A_203, %dma_wait3A_204] : memref<2x2x16x128xi32, #tpu.memory_space<vmem>> -> memref<1x1x16x128xi32, #tpu.memory_space<vmem>>
      %dma_wait3A_206 = tpu.memref_squeeze %dma_wait3A_205 : memref<1x1x16x128xi32, #tpu.memory_space<vmem>> -> memref<16x128xi32, #tpu.memory_space<vmem>>
      %dma_wait3A_207 = arith.constant 0 : i32
      %dma_wait3A_208 = tpu.memref_slice %arg4[%mul3A_2, %dma_wait3A_207] : memref<4096x128xi32, #tpu.memory_space<hbm>> -> memref<16x128xi32, #tpu.memory_space<hbm>>
      tpu.wait_dma2 semaphore(%arg15 : memref<!tpu.dma_semaphore, #tpu.memory_space<semaphore_mem>>) src(%dma_wait3A_208 : memref<16x128xi32, #tpu.memory_space<hbm>>) dst(%dma_wait3A_206 : memref<16x128xi32, #tpu.memory_space<vmem>>)
      %scan3A_209 = arith.constant 0 : i32
      %scan3A_210 = arith.constant 8 : i32
      %scan3A_211 = arith.addi %scan3A_209, %scan3A_210 : i32
      %scan3A_212 = arith.constant 1 : i32
      %scan3A_213:2 = scf.for %scan3A_238 = %scan3A_209 to %scan3A_211 step %scan3A_212 iter_args(%scan3A_239 = %broadcast_in_dim3A_96, %scan3A_240 = %broadcast_in_dim3A_96) -> (vector<16xf32>, vector<16xf32>)  : i32 {
        %mul3A_241 = arith.constant 2 : i32
        %mul3A_242 = arith.muli %scan3A_238, %mul3A_241 : i32
        %add3A_243 = arith.constant 0 : i32
        %add3A_244 = arith.addi %mul3A_242, %add3A_243 : i32
        %get3A_245 = arith.constant 1 : i32
        %get3A_246 = arith.constant 0 : i32
        %get3A_247 = arith.index_cast %get3A_245 : i32 to index
        %get3A_248 = arith.index_cast %get3A_246 : i32 to index
        %get3A_249 = arith.index_cast %add3A_244 : i32 to index
        %get3A_250 = arith.constant 0 : index
        %get3A_251 = tpu.vector_load %arg9[%get3A_247, %get3A_248, %get3A_249, %get3A_250] {strides = array<i32>} : memref<2x2x16x128xi32, #tpu.memory_space<vmem>>, vector<16xi32>,
        %gather3A_252 = tpu.vector_load_idx %arg8[%get3A_251] : memref<102400xi32, #tpu.memory_space<vmem>>[vector<16xi32>], vector<16xi32>,
        %bitcast3A = vector.bitcast %gather3A_252 : vector<16xi32> to vector<32xbf16>
        %unpack3A = tpu.unpack_subelements %bitcast3A, 0 {pack_format = #tpu.pack_format<interleaved>} : vector<32xbf16> -> vector<16xf32>
        %unpack3A_253 = tpu.unpack_subelements %bitcast3A, 1 {pack_format = #tpu.pack_format<interleaved>} : vector<32xbf16> -> vector<16xf32>
        %add3A_254 = arith.addf %broadcast_in_dim3A_96, %unpack3A : vector<16xf32>
        %add3A_255 = arith.addf %broadcast_in_dim3A_96, %unpack3A_253 : vector<16xf32>
        %get3A_256 = arith.constant 1 : i32
        %get3A_257 = arith.constant 0 : i32
        %get3A_258 = arith.index_cast %get3A_256 : i32 to index
        %get3A_259 = arith.index_cast %get3A_257 : i32 to index
        %get3A_260 = arith.index_cast %add3A_244 : i32 to index
        %get3A_261 = arith.constant 16 : index
        %get3A_262 = tpu.vector_load %arg9[%get3A_258, %get3A_259, %get3A_260, %get3A_261] {strides = array<i32>} : memref<2x2x16x128xi32, #tpu.memory_space<vmem>>, vector<16xi32>,
        %gather3A_263 = tpu.vector_load_idx %arg8[%get3A_262] : memref<102400xi32, #tpu.memory_space<vmem>>[vector<16xi32>], vector<16xi32>,
        %bitcast3A_264 = vector.bitcast %gather3A_263 : vector<16xi32> to vector<32xbf16>
        %unpack3A_265 = tpu.unpack_subelements %bitcast3A_264, 0 {pack_format = #tpu.pack_format<interleaved>} : vector<32xbf16> -> vector<16xf32>
        %unpack3A_266 = tpu.unpack_subelements %bitcast3A_264, 1 {pack_format = #tpu.pack_format<interleaved>} : vector<32xbf16> -> vector<16xf32>
        %add3A_267 = arith.addf %broadcast_in_dim3A_96, %unpack3A_265 : vector<16xf32>
        %add3A_268 = arith.addf %broadcast_in_dim3A_96, %unpack3A_266 : vector<16xf32>
        %get3A_269 = arith.constant 1 : i32
        %get3A_270 = arith.constant 0 : i32
        %get3A_271 = arith.index_cast %get3A_269 : i32 to index
        %get3A_272 = arith.index_cast %get3A_270 : i32 to index
        %get3A_273 = arith.index_cast %add3A_244 : i32 to index
        %get3A_274 = arith.constant 32 : index
        %get3A_275 = tpu.vector_load %arg9[%get3A_271, %get3A_272, %get3A_273, %get3A_274] {strides = array<i32>} : memref<2x2x16x128xi32, #tpu.memory_space<vmem>>, vector<16xi32>,
        %gather3A_276 = tpu.vector_load_idx %arg8[%get3A_275] : memref<102400xi32, #tpu.memory_space<vmem>>[vector<16xi32>], vector<16xi32>,
        %bitcast3A_277 = vector.bitcast %gather3A_276 : vector<16xi32> to vector<32xbf16>
        %unpack3A_278 = tpu.unpack_subelements %bitcast3A_277, 0 {pack_format = #tpu.pack_format<interleaved>} : vector<32xbf16> -> vector<16xf32>
        %unpack3A_279 = tpu.unpack_subelements %bitcast3A_277, 1 {pack_format = #tpu.pack_format<interleaved>} : vector<32xbf16> -> vector<16xf32>
        %add3A_280 = arith.addf %broadcast_in_dim3A_96, %unpack3A_278 : vector<16xf32>
        %add3A_281 = arith.addf %broadcast_in_dim3A_96, %unpack3A_279 : vector<16xf32>
        %get3A_282 = arith.constant 1 : i32
        %get3A_283 = arith.constant 0 : i32
        %get3A_284 = arith.index_cast %get3A_282 : i32 to index
        %get3A_285 = arith.index_cast %get3A_283 : i32 to index
        %get3A_286 = arith.index_cast %add3A_244 : i32 to index
        %get3A_287 = arith.constant 48 : index
        %get3A_288 = tpu.vector_load %arg9[%get3A_284, %get3A_285, %get3A_286, %get3A_287] {strides = array<i32>} : memref<2x2x16x128xi32, #tpu.memory_space<vmem>>, vector<16xi32>,
        %gather3A_289 = tpu.vector_load_idx %arg8[%get3A_288] : memref<102400xi32, #tpu.memory_space<vmem>>[vector<16xi32>], vector<16xi32>,
        %bitcast3A_290 = vector.bitcast %gather3A_289 : vector<16xi32> to vector<32xbf16>
        %unpack3A_291 = tpu.unpack_subelements %bitcast3A_290, 0 {pack_format = #tpu.pack_format<interleaved>} : vector<32xbf16> -> vector<16xf32>
        %unpack3A_292 = tpu.unpack_subelements %bitcast3A_290, 1 {pack_format = #tpu.pack_format<interleaved>} : vector<32xbf16> -> vector<16xf32>
        %add3A_293 = arith.addf %broadcast_in_dim3A_96, %unpack3A_291 : vector<16xf32>
        %add3A_294 = arith.addf %broadcast_in_dim3A_96, %unpack3A_292 : vector<16xf32>
        %get3A_295 = arith.constant 1 : i32
        %get3A_296 = arith.constant 0 : i32
        %get3A_297 = arith.index_cast %get3A_295 : i32 to index
        %get3A_298 = arith.index_cast %get3A_296 : i32 to index
        %get3A_299 = arith.index_cast %add3A_244 : i32 to index
        %get3A_300 = arith.constant 64 : index
        %get3A_301 = tpu.vector_load %arg9[%get3A_297, %get3A_298, %get3A_299, %get3A_300] {strides = array<i32>} : memref<2x2x16x128xi32, #tpu.memory_space<vmem>>, vector<16xi32>,
        %gather3A_302 = tpu.vector_load_idx %arg8[%get3A_301] : memref<102400xi32, #tpu.memory_space<vmem>>[vector<16xi32>], vector<16xi32>,
        %bitcast3A_303 = vector.bitcast %gather3A_302 : vector<16xi32> to vector<32xbf16>
        %unpack3A_304 = tpu.unpack_subelements %bitcast3A_303, 0 {pack_format = #tpu.pack_format<interleaved>} : vector<32xbf16> -> vector<16xf32>
        %unpack3A_305 = tpu.unpack_subelements %bitcast3A_303, 1 {pack_format = #tpu.pack_format<interleaved>} : vector<32xbf16> -> vector<16xf32>
        %add3A_306 = arith.addf %add3A_254, %unpack3A_304 : vector<16xf32>
        %add3A_307 = arith.addf %add3A_255, %unpack3A_305 : vector<16xf32>
        %get3A_308 = arith.constant 1 : i32
        %get3A_309 = arith.constant 0 : i32
        %get3A_310 = arith.index_cast %get3A_308 : i32 to index
        %get3A_311 = arith.index_cast %get3A_309 : i32 to index
        %get3A_312 = arith.index_cast %add3A_244 : i32 to index
        %get3A_313 = arith.constant 80 : index
        %get3A_314 = tpu.vector_load %arg9[%get3A_310, %get3A_311, %get3A_312, %get3A_313] {strides = array<i32>} : memref<2x2x16x128xi32, #tpu.memory_space<vmem>>, vector<16xi32>,
        %gather3A_315 = tpu.vector_load_idx %arg8[%get3A_314] : memref<102400xi32, #tpu.memory_space<vmem>>[vector<16xi32>], vector<16xi32>,
        %bitcast3A_316 = vector.bitcast %gather3A_315 : vector<16xi32> to vector<32xbf16>
        %unpack3A_317 = tpu.unpack_subelements %bitcast3A_316, 0 {pack_format = #tpu.pack_format<interleaved>} : vector<32xbf16> -> vector<16xf32>
        %unpack3A_318 = tpu.unpack_subelements %bitcast3A_316, 1 {pack_format = #tpu.pack_format<interleaved>} : vector<32xbf16> -> vector<16xf32>
        %add3A_319 = arith.addf %add3A_267, %unpack3A_317 : vector<16xf32>
        %add3A_320 = arith.addf %add3A_268, %unpack3A_318 : vector<16xf32>
        %get3A_321 = arith.constant 1 : i32
        %get3A_322 = arith.constant 0 : i32
        %get3A_323 = arith.index_cast %get3A_321 : i32 to index
        %get3A_324 = arith.index_cast %get3A_322 : i32 to index
        %get3A_325 = arith.index_cast %add3A_244 : i32 to index
        %get3A_326 = arith.constant 96 : index
        %get3A_327 = tpu.vector_load %arg9[%get3A_323, %get3A_324, %get3A_325, %get3A_326] {strides = array<i32>} : memref<2x2x16x128xi32, #tpu.memory_space<vmem>>, vector<16xi32>,
        %gather3A_328 = tpu.vector_load_idx %arg8[%get3A_327] : memref<102400xi32, #tpu.memory_space<vmem>>[vector<16xi32>], vector<16xi32>,
        %bitcast3A_329 = vector.bitcast %gather3A_328 : vector<16xi32> to vector<32xbf16>
        %unpack3A_330 = tpu.unpack_subelements %bitcast3A_329, 0 {pack_format = #tpu.pack_format<interleaved>} : vector<32xbf16> -> vector<16xf32>
        %unpack3A_331 = tpu.unpack_subelements %bitcast3A_329, 1 {pack_format = #tpu.pack_format<interleaved>} : vector<32xbf16> -> vector<16xf32>
        %add3A_332 = arith.addf %add3A_280, %unpack3A_330 : vector<16xf32>
        %add3A_333 = arith.addf %add3A_281, %unpack3A_331 : vector<16xf32>
        %get3A_334 = arith.constant 1 : i32
        %get3A_335 = arith.constant 0 : i32
        %get3A_336 = arith.index_cast %get3A_334 : i32 to index
        %get3A_337 = arith.index_cast %get3A_335 : i32 to index
        %get3A_338 = arith.index_cast %add3A_244 : i32 to index
        %get3A_339 = arith.constant 112 : index
        %get3A_340 = tpu.vector_load %arg9[%get3A_336, %get3A_337, %get3A_338, %get3A_339] {strides = array<i32>} : memref<2x2x16x128xi32, #tpu.memory_space<vmem>>, vector<16xi32>,
        %gather3A_341 = tpu.vector_load_idx %arg8[%get3A_340] : memref<102400xi32, #tpu.memory_space<vmem>>[vector<16xi32>], vector<16xi32>,
        %bitcast3A_342 = vector.bitcast %gather3A_341 : vector<16xi32> to vector<32xbf16>
        %unpack3A_343 = tpu.unpack_subelements %bitcast3A_342, 0 {pack_format = #tpu.pack_format<interleaved>} : vector<32xbf16> -> vector<16xf32>
        %unpack3A_344 = tpu.unpack_subelements %bitcast3A_342, 1 {pack_format = #tpu.pack_format<interleaved>} : vector<32xbf16> -> vector<16xf32>
        %add3A_345 = arith.addf %add3A_293, %unpack3A_343 : vector<16xf32>
        %add3A_346 = arith.addf %add3A_294, %unpack3A_344 : vector<16xf32>
        %get3A_347 = arith.constant 1 : i32
        %get3A_348 = arith.constant 1 : i32
        %get3A_349 = arith.index_cast %get3A_347 : i32 to index
        %get3A_350 = arith.index_cast %get3A_348 : i32 to index
        %get3A_351 = arith.index_cast %add3A_244 : i32 to index
        %get3A_352 = arith.constant 0 : index
        %get3A_353 = tpu.vector_load %arg9[%get3A_349, %get3A_350, %get3A_351, %get3A_352] {strides = array<i32>} : memref<2x2x16x128xi32, #tpu.memory_space<vmem>>, vector<16xi32>,
        %gather3A_354 = tpu.vector_load_idx %arg8[%get3A_353] : memref<102400xi32, #tpu.memory_space<vmem>>[vector<16xi32>], vector<16xi32>,
        %bitcast3A_355 = vector.bitcast %gather3A_354 : vector<16xi32> to vector<32xbf16>
        %unpack3A_356 = tpu.unpack_subelements %bitcast3A_355, 0 {pack_format = #tpu.pack_format<interleaved>} : vector<32xbf16> -> vector<16xf32>
        %unpack3A_357 = tpu.unpack_subelements %bitcast3A_355, 1 {pack_format = #tpu.pack_format<interleaved>} : vector<32xbf16> -> vector<16xf32>
        %add3A_358 = arith.addf %add3A_306, %unpack3A_356 : vector<16xf32>
        %add3A_359 = arith.addf %add3A_307, %unpack3A_357 : vector<16xf32>
        %get3A_360 = arith.constant 1 : i32
        %get3A_361 = arith.constant 1 : i32
        %get3A_362 = arith.index_cast %get3A_360 : i32 to index
        %get3A_363 = arith.index_cast %get3A_361 : i32 to index
        %get3A_364 = arith.index_cast %add3A_244 : i32 to index
        %get3A_365 = arith.constant 16 : index
        %get3A_366 = tpu.vector_load %arg9[%get3A_362, %get3A_363, %get3A_364, %get3A_365] {strides = array<i32>} : memref<2x2x16x128xi32, #tpu.memory_space<vmem>>, vector<16xi32>,
        %gather3A_367 = tpu.vector_load_idx %arg8[%get3A_366] : memref<102400xi32, #tpu.memory_space<vmem>>[vector<16xi32>], vector<16xi32>,
        %bitcast3A_368 = vector.bitcast %gather3A_367 : vector<16xi32> to vector<32xbf16>
        %unpack3A_369 = tpu.unpack_subelements %bitcast3A_368, 0 {pack_format = #tpu.pack_format<interleaved>} : vector<32xbf16> -> vector<16xf32>
        %unpack3A_370 = tpu.unpack_subelements %bitcast3A_368, 1 {pack_format = #tpu.pack_format<interleaved>} : vector<32xbf16> -> vector<16xf32>
        %add3A_371 = arith.addf %add3A_319, %unpack3A_369 : vector<16xf32>
        %add3A_372 = arith.addf %add3A_320, %unpack3A_370 : vector<16xf32>
        %get3A_373 = arith.constant 1 : i32
        %get3A_374 = arith.constant 1 : i32
        %get3A_375 = arith.index_cast %get3A_373 : i32 to index
        %get3A_376 = arith.index_cast %get3A_374 : i32 to index
        %get3A_377 = arith.index_cast %add3A_244 : i32 to index
        %get3A_378 = arith.constant 32 : index
        %get3A_379 = tpu.vector_load %arg9[%get3A_375, %get3A_376, %get3A_377, %get3A_378] {strides = array<i32>} : memref<2x2x16x128xi32, #tpu.memory_space<vmem>>, vector<16xi32>,
        %gather3A_380 = tpu.vector_load_idx %arg8[%get3A_379] : memref<102400xi32, #tpu.memory_space<vmem>>[vector<16xi32>], vector<16xi32>,
        %bitcast3A_381 = vector.bitcast %gather3A_380 : vector<16xi32> to vector<32xbf16>
        %unpack3A_382 = tpu.unpack_subelements %bitcast3A_381, 0 {pack_format = #tpu.pack_format<interleaved>} : vector<32xbf16> -> vector<16xf32>
        %unpack3A_383 = tpu.unpack_subelements %bitcast3A_381, 1 {pack_format = #tpu.pack_format<interleaved>} : vector<32xbf16> -> vector<16xf32>
        %add3A_384 = arith.addf %add3A_332, %unpack3A_382 : vector<16xf32>
        %add3A_385 = arith.addf %add3A_333, %unpack3A_383 : vector<16xf32>
        %get3A_386 = arith.constant 1 : i32
        %get3A_387 = arith.constant 1 : i32
        %get3A_388 = arith.index_cast %get3A_386 : i32 to index
        %get3A_389 = arith.index_cast %get3A_387 : i32 to index
        %get3A_390 = arith.index_cast %add3A_244 : i32 to index
        %get3A_391 = arith.constant 48 : index
        %get3A_392 = tpu.vector_load %arg9[%get3A_388, %get3A_389, %get3A_390, %get3A_391] {strides = array<i32>} : memref<2x2x16x128xi32, #tpu.memory_space<vmem>>, vector<16xi32>,
        %gather3A_393 = tpu.vector_load_idx %arg8[%get3A_392] : memref<102400xi32, #tpu.memory_space<vmem>>[vector<16xi32>], vector<16xi32>,
        %bitcast3A_394 = vector.bitcast %gather3A_393 : vector<16xi32> to vector<32xbf16>
        %unpack3A_395 = tpu.unpack_subelements %bitcast3A_394, 0 {pack_format = #tpu.pack_format<interleaved>} : vector<32xbf16> -> vector<16xf32>
        %unpack3A_396 = tpu.unpack_subelements %bitcast3A_394, 1 {pack_format = #tpu.pack_format<interleaved>} : vector<32xbf16> -> vector<16xf32>
        %add3A_397 = arith.addf %add3A_345, %unpack3A_395 : vector<16xf32>
        %add3A_398 = arith.addf %add3A_346, %unpack3A_396 : vector<16xf32>
        %get3A_399 = arith.constant 1 : i32
        %get3A_400 = arith.constant 1 : i32
        %get3A_401 = arith.index_cast %get3A_399 : i32 to index
        %get3A_402 = arith.index_cast %get3A_400 : i32 to index
        %get3A_403 = arith.index_cast %add3A_244 : i32 to index
        %get3A_404 = arith.constant 64 : index
        %get3A_405 = tpu.vector_load %arg9[%get3A_401, %get3A_402, %get3A_403, %get3A_404] {strides = array<i32>} : memref<2x2x16x128xi32, #tpu.memory_space<vmem>>, vector<16xi32>,
        %gather3A_406 = tpu.vector_load_idx %arg8[%get3A_405] : memref<102400xi32, #tpu.memory_space<vmem>>[vector<16xi32>], vector<16xi32>,
        %bitcast3A_407 = vector.bitcast %gather3A_406 : vector<16xi32> to vector<32xbf16>
        %unpack3A_408 = tpu.unpack_subelements %bitcast3A_407, 0 {pack_format = #tpu.pack_format<interleaved>} : vector<32xbf16> -> vector<16xf32>
        %unpack3A_409 = tpu.unpack_subelements %bitcast3A_407, 1 {pack_format = #tpu.pack_format<interleaved>} : vector<32xbf16> -> vector<16xf32>
        %add3A_410 = arith.addf %add3A_358, %unpack3A_408 : vector<16xf32>
        %add3A_411 = arith.addf %add3A_359, %unpack3A_409 : vector<16xf32>
        %add3A_412 = arith.addf %add3A_410, %add3A_371 : vector<16xf32>
        %add3A_413 = arith.addf %add3A_384, %add3A_397 : vector<16xf32>
        %add3A_414 = arith.addf %add3A_412, %add3A_413 : vector<16xf32>
        %broadcast_in_dim3A_415 = vector.shape_cast %and3A_77 : vector<16xi32> to vector<16x1xi32>
        %gather3A_416 = vector.shape_cast %broadcast_in_dim3A_415 : vector<16x1xi32> to vector<16xi32>
        %gather3A_417 = tpu.dynamic_gather %add3A_414[%gather3A_416] in [0] : vector<16xf32>, vector<16xi32> -> vector<16xf32>
        %add3A_418 = arith.addf %add3A_414, %gather3A_417 : vector<16xf32>
        %broadcast_in_dim3A_419 = vector.shape_cast %and3A_83 : vector<16xi32> to vector<16x1xi32>
        %gather3A_420 = vector.shape_cast %broadcast_in_dim3A_419 : vector<16x1xi32> to vector<16xi32>
        %gather3A_421 = tpu.dynamic_gather %add3A_418[%gather3A_420] in [0] : vector<16xf32>, vector<16xi32> -> vector<16xf32>
        %add3A_422 = arith.addf %add3A_418, %gather3A_421 : vector<16xf32>
        %broadcast_in_dim3A_423 = vector.shape_cast %and3A_89 : vector<16xi32> to vector<16x1xi32>
        %gather3A_424 = vector.shape_cast %broadcast_in_dim3A_423 : vector<16x1xi32> to vector<16xi32>
        %gather3A_425 = tpu.dynamic_gather %add3A_422[%gather3A_424] in [0] : vector<16xf32>, vector<16xi32> -> vector<16xf32>
        %add3A_426 = arith.addf %add3A_422, %gather3A_425 : vector<16xf32>
        %broadcast_in_dim3A_427 = vector.shape_cast %and3A_95 : vector<16xi32> to vector<16x1xi32>
        %gather3A_428 = vector.shape_cast %broadcast_in_dim3A_427 : vector<16x1xi32> to vector<16xi32>
        %gather3A_429 = tpu.dynamic_gather %add3A_426[%gather3A_428] in [0] : vector<16xf32>, vector<16xi32> -> vector<16xf32>
        %add3A_430 = arith.addf %add3A_426, %gather3A_429 : vector<16xf32>
        %add3A_431 = arith.addf %add3A_411, %add3A_372 : vector<16xf32>
        %add3A_432 = arith.addf %add3A_385, %add3A_398 : vector<16xf32>
        %add3A_433 = arith.addf %add3A_431, %add3A_432 : vector<16xf32>
        %broadcast_in_dim3A_434 = vector.shape_cast %and3A_77 : vector<16xi32> to vector<16x1xi32>
        %gather3A_435 = vector.shape_cast %broadcast_in_dim3A_434 : vector<16x1xi32> to vector<16xi32>
        %gather3A_436 = tpu.dynamic_gather %add3A_433[%gather3A_435] in [0] : vector<16xf32>, vector<16xi32> -> vector<16xf32>
        %add3A_437 = arith.addf %add3A_433, %gather3A_436 : vector<16xf32>
        %broadcast_in_dim3A_438 = vector.shape_cast %and3A_83 : vector<16xi32> to vector<16x1xi32>
        %gather3A_439 = vector.shape_cast %broadcast_in_dim3A_438 : vector<16x1xi32> to vector<16xi32>
        %gather3A_440 = tpu.dynamic_gather %add3A_437[%gather3A_439] in [0] : vector<16xf32>, vector<16xi32> -> vector<16xf32>
        %add3A_441 = arith.addf %add3A_437, %gather3A_440 : vector<16xf32>
        %broadcast_in_dim3A_442 = vector.shape_cast %and3A_89 : vector<16xi32> to vector<16x1xi32>
        %gather3A_443 = vector.shape_cast %broadcast_in_dim3A_442 : vector<16x1xi32> to vector<16xi32>
        %gather3A_444 = tpu.dynamic_gather %add3A_441[%gather3A_443] in [0] : vector<16xf32>, vector<16xi32> -> vector<16xf32>
        %add3A_445 = arith.addf %add3A_441, %gather3A_444 : vector<16xf32>
        %broadcast_in_dim3A_446 = vector.shape_cast %and3A_95 : vector<16xi32> to vector<16x1xi32>
        %gather3A_447 = vector.shape_cast %broadcast_in_dim3A_446 : vector<16x1xi32> to vector<16xi32>
        %gather3A_448 = tpu.dynamic_gather %add3A_445[%gather3A_447] in [0] : vector<16xf32>, vector<16xi32> -> vector<16xf32>
        %add3A_449 = arith.addf %add3A_445, %gather3A_448 : vector<16xf32>
        %eq3A_450 = vector.broadcast %add3A_244 : i32 to vector<16xi32>
        %eq3A_451 = arith.cmpi eq, %iota3A, %eq3A_450 : vector<16xi32>
        %select_n3A = arith.select %eq3A_451, %add3A_430, %scan3A_239 : vector<16xi1>, vector<16xf32>
        %eq3A_452 = vector.broadcast %add3A_244 : i32 to vector<16xi32>
        %eq3A_453 = arith.cmpi eq, %iota3A, %eq3A_452 : vector<16xi32>
        %select_n3A_454 = arith.select %eq3A_453, %add3A_449, %scan3A_240 : vector<16xi1>, vector<16xf32>
        %mul3A_455 = arith.constant 2 : i32
        %mul3A_456 = arith.muli %scan3A_238, %mul3A_455 : i32
        %add3A_457 = arith.constant 1 : i32
        %add3A_458 = arith.addi %mul3A_456, %add3A_457 : i32
        %get3A_459 = arith.constant 1 : i32
        %get3A_460 = arith.constant 0 : i32
        %get3A_461 = arith.index_cast %get3A_459 : i32 to index
        %get3A_462 = arith.index_cast %get3A_460 : i32 to index
        %get3A_463 = arith.index_cast %add3A_458 : i32 to index
        %get3A_464 = arith.constant 0 : index
        %get3A_465 = tpu.vector_load %arg9[%get3A_461, %get3A_462, %get3A_463, %get3A_464] {strides = array<i32>} : memref<2x2x16x128xi32, #tpu.memory_space<vmem>>, vector<16xi32>,
        %gather3A_466 = tpu.vector_load_idx %arg8[%get3A_465] : memref<102400xi32, #tpu.memory_space<vmem>>[vector<16xi32>], vector<16xi32>,
        %bitcast3A_467 = vector.bitcast %gather3A_466 : vector<16xi32> to vector<32xbf16>
        %unpack3A_468 = tpu.unpack_subelements %bitcast3A_467, 0 {pack_format = #tpu.pack_format<interleaved>} : vector<32xbf16> -> vector<16xf32>
        %unpack3A_469 = tpu.unpack_subelements %bitcast3A_467, 1 {pack_format = #tpu.pack_format<interleaved>} : vector<32xbf16> -> vector<16xf32>
        %add3A_470 = arith.addf %broadcast_in_dim3A_96, %unpack3A_468 : vector<16xf32>
        %add3A_471 = arith.addf %broadcast_in_dim3A_96, %unpack3A_469 : vector<16xf32>
        %get3A_472 = arith.constant 1 : i32
        %get3A_473 = arith.constant 0 : i32
        %get3A_474 = arith.index_cast %get3A_472 : i32 to index
        %get3A_475 = arith.index_cast %get3A_473 : i32 to index
        %get3A_476 = arith.index_cast %add3A_458 : i32 to index
        %get3A_477 = arith.constant 16 : index
        %get3A_478 = tpu.vector_load %arg9[%get3A_474, %get3A_475, %get3A_476, %get3A_477] {strides = array<i32>} : memref<2x2x16x128xi32, #tpu.memory_space<vmem>>, vector<16xi32>,
        %gather3A_479 = tpu.vector_load_idx %arg8[%get3A_478] : memref<102400xi32, #tpu.memory_space<vmem>>[vector<16xi32>], vector<16xi32>,
        %bitcast3A_480 = vector.bitcast %gather3A_479 : vector<16xi32> to vector<32xbf16>
        %unpack3A_481 = tpu.unpack_subelements %bitcast3A_480, 0 {pack_format = #tpu.pack_format<interleaved>} : vector<32xbf16> -> vector<16xf32>
        %unpack3A_482 = tpu.unpack_subelements %bitcast3A_480, 1 {pack_format = #tpu.pack_format<interleaved>} : vector<32xbf16> -> vector<16xf32>
        %add3A_483 = arith.addf %broadcast_in_dim3A_96, %unpack3A_481 : vector<16xf32>
        %add3A_484 = arith.addf %broadcast_in_dim3A_96, %unpack3A_482 : vector<16xf32>
        %get3A_485 = arith.constant 1 : i32
        %get3A_486 = arith.constant 0 : i32
        %get3A_487 = arith.index_cast %get3A_485 : i32 to index
        %get3A_488 = arith.index_cast %get3A_486 : i32 to index
        %get3A_489 = arith.index_cast %add3A_458 : i32 to index
        %get3A_490 = arith.constant 32 : index
        %get3A_491 = tpu.vector_load %arg9[%get3A_487, %get3A_488, %get3A_489, %get3A_490] {strides = array<i32>} : memref<2x2x16x128xi32, #tpu.memory_space<vmem>>, vector<16xi32>,
        %gather3A_492 = tpu.vector_load_idx %arg8[%get3A_491] : memref<102400xi32, #tpu.memory_space<vmem>>[vector<16xi32>], vector<16xi32>,
        %bitcast3A_493 = vector.bitcast %gather3A_492 : vector<16xi32> to vector<32xbf16>
        %unpack3A_494 = tpu.unpack_subelements %bitcast3A_493, 0 {pack_format = #tpu.pack_format<interleaved>} : vector<32xbf16> -> vector<16xf32>
        %unpack3A_495 = tpu.unpack_subelements %bitcast3A_493, 1 {pack_format = #tpu.pack_format<interleaved>} : vector<32xbf16> -> vector<16xf32>
        %add3A_496 = arith.addf %broadcast_in_dim3A_96, %unpack3A_494 : vector<16xf32>
        %add3A_497 = arith.addf %broadcast_in_dim3A_96, %unpack3A_495 : vector<16xf32>
        %get3A_498 = arith.constant 1 : i32
        %get3A_499 = arith.constant 0 : i32
        %get3A_500 = arith.index_cast %get3A_498 : i32 to index
        %get3A_501 = arith.index_cast %get3A_499 : i32 to index
        %get3A_502 = arith.index_cast %add3A_458 : i32 to index
        %get3A_503 = arith.constant 48 : index
        %get3A_504 = tpu.vector_load %arg9[%get3A_500, %get3A_501, %get3A_502, %get3A_503] {strides = array<i32>} : memref<2x2x16x128xi32, #tpu.memory_space<vmem>>, vector<16xi32>,
        %gather3A_505 = tpu.vector_load_idx %arg8[%get3A_504] : memref<102400xi32, #tpu.memory_space<vmem>>[vector<16xi32>], vector<16xi32>,
        %bitcast3A_506 = vector.bitcast %gather3A_505 : vector<16xi32> to vector<32xbf16>
        %unpack3A_507 = tpu.unpack_subelements %bitcast3A_506, 0 {pack_format = #tpu.pack_format<interleaved>} : vector<32xbf16> -> vector<16xf32>
        %unpack3A_508 = tpu.unpack_subelements %bitcast3A_506, 1 {pack_format = #tpu.pack_format<interleaved>} : vector<32xbf16> -> vector<16xf32>
        %add3A_509 = arith.addf %broadcast_in_dim3A_96, %unpack3A_507 : vector<16xf32>
        %add3A_510 = arith.addf %broadcast_in_dim3A_96, %unpack3A_508 : vector<16xf32>
        %get3A_511 = arith.constant 1 : i32
        %get3A_512 = arith.constant 0 : i32
        %get3A_513 = arith.index_cast %get3A_511 : i32 to index
        %get3A_514 = arith.index_cast %get3A_512 : i32 to index
        %get3A_515 = arith.index_cast %add3A_458 : i32 to index
        %get3A_516 = arith.constant 64 : index
        %get3A_517 = tpu.vector_load %arg9[%get3A_513, %get3A_514, %get3A_515, %get3A_516] {strides = array<i32>} : memref<2x2x16x128xi32, #tpu.memory_space<vmem>>, vector<16xi32>,
        %gather3A_518 = tpu.vector_load_idx %arg8[%get3A_517] : memref<102400xi32, #tpu.memory_space<vmem>>[vector<16xi32>], vector<16xi32>,
        %bitcast3A_519 = vector.bitcast %gather3A_518 : vector<16xi32> to vector<32xbf16>
        %unpack3A_520 = tpu.unpack_subelements %bitcast3A_519, 0 {pack_format = #tpu.pack_format<interleaved>} : vector<32xbf16> -> vector<16xf32>
        %unpack3A_521 = tpu.unpack_subelements %bitcast3A_519, 1 {pack_format = #tpu.pack_format<interleaved>} : vector<32xbf16> -> vector<16xf32>
        %add3A_522 = arith.addf %add3A_470, %unpack3A_520 : vector<16xf32>
        %add3A_523 = arith.addf %add3A_471, %unpack3A_521 : vector<16xf32>
        %get3A_524 = arith.constant 1 : i32
        %get3A_525 = arith.constant 0 : i32
        %get3A_526 = arith.index_cast %get3A_524 : i32 to index
        %get3A_527 = arith.index_cast %get3A_525 : i32 to index
        %get3A_528 = arith.index_cast %add3A_458 : i32 to index
        %get3A_529 = arith.constant 80 : index
        %get3A_530 = tpu.vector_load %arg9[%get3A_526, %get3A_527, %get3A_528, %get3A_529] {strides = array<i32>} : memref<2x2x16x128xi32, #tpu.memory_space<vmem>>, vector<16xi32>,
        %gather3A_531 = tpu.vector_load_idx %arg8[%get3A_530] : memref<102400xi32, #tpu.memory_space<vmem>>[vector<16xi32>], vector<16xi32>,
        %bitcast3A_532 = vector.bitcast %gather3A_531 : vector<16xi32> to vector<32xbf16>
        %unpack3A_533 = tpu.unpack_subelements %bitcast3A_532, 0 {pack_format = #tpu.pack_format<interleaved>} : vector<32xbf16> -> vector<16xf32>
        %unpack3A_534 = tpu.unpack_subelements %bitcast3A_532, 1 {pack_format = #tpu.pack_format<interleaved>} : vector<32xbf16> -> vector<16xf32>
        %add3A_535 = arith.addf %add3A_483, %unpack3A_533 : vector<16xf32>
        %add3A_536 = arith.addf %add3A_484, %unpack3A_534 : vector<16xf32>
        %get3A_537 = arith.constant 1 : i32
        %get3A_538 = arith.constant 0 : i32
        %get3A_539 = arith.index_cast %get3A_537 : i32 to index
        %get3A_540 = arith.index_cast %get3A_538 : i32 to index
        %get3A_541 = arith.index_cast %add3A_458 : i32 to index
        %get3A_542 = arith.constant 96 : index
        %get3A_543 = tpu.vector_load %arg9[%get3A_539, %get3A_540, %get3A_541, %get3A_542] {strides = array<i32>} : memref<2x2x16x128xi32, #tpu.memory_space<vmem>>, vector<16xi32>,
        %gather3A_544 = tpu.vector_load_idx %arg8[%get3A_543] : memref<102400xi32, #tpu.memory_space<vmem>>[vector<16xi32>], vector<16xi32>,
        %bitcast3A_545 = vector.bitcast %gather3A_544 : vector<16xi32> to vector<32xbf16>
        %unpack3A_546 = tpu.unpack_subelements %bitcast3A_545, 0 {pack_format = #tpu.pack_format<interleaved>} : vector<32xbf16> -> vector<16xf32>
        %unpack3A_547 = tpu.unpack_subelements %bitcast3A_545, 1 {pack_format = #tpu.pack_format<interleaved>} : vector<32xbf16> -> vector<16xf32>
        %add3A_548 = arith.addf %add3A_496, %unpack3A_546 : vector<16xf32>
        %add3A_549 = arith.addf %add3A_497, %unpack3A_547 : vector<16xf32>
        %get3A_550 = arith.constant 1 : i32
        %get3A_551 = arith.constant 0 : i32
        %get3A_552 = arith.index_cast %get3A_550 : i32 to index
        %get3A_553 = arith.index_cast %get3A_551 : i32 to index
        %get3A_554 = arith.index_cast %add3A_458 : i32 to index
        %get3A_555 = arith.constant 112 : index
        %get3A_556 = tpu.vector_load %arg9[%get3A_552, %get3A_553, %get3A_554, %get3A_555] {strides = array<i32>} : memref<2x2x16x128xi32, #tpu.memory_space<vmem>>, vector<16xi32>,
        %gather3A_557 = tpu.vector_load_idx %arg8[%get3A_556] : memref<102400xi32, #tpu.memory_space<vmem>>[vector<16xi32>], vector<16xi32>,
        %bitcast3A_558 = vector.bitcast %gather3A_557 : vector<16xi32> to vector<32xbf16>
        %unpack3A_559 = tpu.unpack_subelements %bitcast3A_558, 0 {pack_format = #tpu.pack_format<interleaved>} : vector<32xbf16> -> vector<16xf32>
        %unpack3A_560 = tpu.unpack_subelements %bitcast3A_558, 1 {pack_format = #tpu.pack_format<interleaved>} : vector<32xbf16> -> vector<16xf32>
        %add3A_561 = arith.addf %add3A_509, %unpack3A_559 : vector<16xf32>
        %add3A_562 = arith.addf %add3A_510, %unpack3A_560 : vector<16xf32>
        %get3A_563 = arith.constant 1 : i32
        %get3A_564 = arith.constant 1 : i32
        %get3A_565 = arith.index_cast %get3A_563 : i32 to index
        %get3A_566 = arith.index_cast %get3A_564 : i32 to index
        %get3A_567 = arith.index_cast %add3A_458 : i32 to index
        %get3A_568 = arith.constant 0 : index
        %get3A_569 = tpu.vector_load %arg9[%get3A_565, %get3A_566, %get3A_567, %get3A_568] {strides = array<i32>} : memref<2x2x16x128xi32, #tpu.memory_space<vmem>>, vector<16xi32>,
        %gather3A_570 = tpu.vector_load_idx %arg8[%get3A_569] : memref<102400xi32, #tpu.memory_space<vmem>>[vector<16xi32>], vector<16xi32>,
        %bitcast3A_571 = vector.bitcast %gather3A_570 : vector<16xi32> to vector<32xbf16>
        %unpack3A_572 = tpu.unpack_subelements %bitcast3A_571, 0 {pack_format = #tpu.pack_format<interleaved>} : vector<32xbf16> -> vector<16xf32>
        %unpack3A_573 = tpu.unpack_subelements %bitcast3A_571, 1 {pack_format = #tpu.pack_format<interleaved>} : vector<32xbf16> -> vector<16xf32>
        %add3A_574 = arith.addf %add3A_522, %unpack3A_572 : vector<16xf32>
        %add3A_575 = arith.addf %add3A_523, %unpack3A_573 : vector<16xf32>
        %get3A_576 = arith.constant 1 : i32
        %get3A_577 = arith.constant 1 : i32
        %get3A_578 = arith.index_cast %get3A_576 : i32 to index
        %get3A_579 = arith.index_cast %get3A_577 : i32 to index
        %get3A_580 = arith.index_cast %add3A_458 : i32 to index
        %get3A_581 = arith.constant 16 : index
        %get3A_582 = tpu.vector_load %arg9[%get3A_578, %get3A_579, %get3A_580, %get3A_581] {strides = array<i32>} : memref<2x2x16x128xi32, #tpu.memory_space<vmem>>, vector<16xi32>,
        %gather3A_583 = tpu.vector_load_idx %arg8[%get3A_582] : memref<102400xi32, #tpu.memory_space<vmem>>[vector<16xi32>], vector<16xi32>,
        %bitcast3A_584 = vector.bitcast %gather3A_583 : vector<16xi32> to vector<32xbf16>
        %unpack3A_585 = tpu.unpack_subelements %bitcast3A_584, 0 {pack_format = #tpu.pack_format<interleaved>} : vector<32xbf16> -> vector<16xf32>
        %unpack3A_586 = tpu.unpack_subelements %bitcast3A_584, 1 {pack_format = #tpu.pack_format<interleaved>} : vector<32xbf16> -> vector<16xf32>
        %add3A_587 = arith.addf %add3A_535, %unpack3A_585 : vector<16xf32>
        %add3A_588 = arith.addf %add3A_536, %unpack3A_586 : vector<16xf32>
        %get3A_589 = arith.constant 1 : i32
        %get3A_590 = arith.constant 1 : i32
        %get3A_591 = arith.index_cast %get3A_589 : i32 to index
        %get3A_592 = arith.index_cast %get3A_590 : i32 to index
        %get3A_593 = arith.index_cast %add3A_458 : i32 to index
        %get3A_594 = arith.constant 32 : index
        %get3A_595 = tpu.vector_load %arg9[%get3A_591, %get3A_592, %get3A_593, %get3A_594] {strides = array<i32>} : memref<2x2x16x128xi32, #tpu.memory_space<vmem>>, vector<16xi32>,
        %gather3A_596 = tpu.vector_load_idx %arg8[%get3A_595] : memref<102400xi32, #tpu.memory_space<vmem>>[vector<16xi32>], vector<16xi32>,
        %bitcast3A_597 = vector.bitcast %gather3A_596 : vector<16xi32> to vector<32xbf16>
        %unpack3A_598 = tpu.unpack_subelements %bitcast3A_597, 0 {pack_format = #tpu.pack_format<interleaved>} : vector<32xbf16> -> vector<16xf32>
        %unpack3A_599 = tpu.unpack_subelements %bitcast3A_597, 1 {pack_format = #tpu.pack_format<interleaved>} : vector<32xbf16> -> vector<16xf32>
        %add3A_600 = arith.addf %add3A_548, %unpack3A_598 : vector<16xf32>
        %add3A_601 = arith.addf %add3A_549, %unpack3A_599 : vector<16xf32>
        %get3A_602 = arith.constant 1 : i32
        %get3A_603 = arith.constant 1 : i32
        %get3A_604 = arith.index_cast %get3A_602 : i32 to index
        %get3A_605 = arith.index_cast %get3A_603 : i32 to index
        %get3A_606 = arith.index_cast %add3A_458 : i32 to index
        %get3A_607 = arith.constant 48 : index
        %get3A_608 = tpu.vector_load %arg9[%get3A_604, %get3A_605, %get3A_606, %get3A_607] {strides = array<i32>} : memref<2x2x16x128xi32, #tpu.memory_space<vmem>>, vector<16xi32>,
        %gather3A_609 = tpu.vector_load_idx %arg8[%get3A_608] : memref<102400xi32, #tpu.memory_space<vmem>>[vector<16xi32>], vector<16xi32>,
        %bitcast3A_610 = vector.bitcast %gather3A_609 : vector<16xi32> to vector<32xbf16>
        %unpack3A_611 = tpu.unpack_subelements %bitcast3A_610, 0 {pack_format = #tpu.pack_format<interleaved>} : vector<32xbf16> -> vector<16xf32>
        %unpack3A_612 = tpu.unpack_subelements %bitcast3A_610, 1 {pack_format = #tpu.pack_format<interleaved>} : vector<32xbf16> -> vector<16xf32>
        %add3A_613 = arith.addf %add3A_561, %unpack3A_611 : vector<16xf32>
        %add3A_614 = arith.addf %add3A_562, %unpack3A_612 : vector<16xf32>
        %get3A_615 = arith.constant 1 : i32
        %get3A_616 = arith.constant 1 : i32
        %get3A_617 = arith.index_cast %get3A_615 : i32 to index
        %get3A_618 = arith.index_cast %get3A_616 : i32 to index
        %get3A_619 = arith.index_cast %add3A_458 : i32 to index
        %get3A_620 = arith.constant 64 : index
        %get3A_621 = tpu.vector_load %arg9[%get3A_617, %get3A_618, %get3A_619, %get3A_620] {strides = array<i32>} : memref<2x2x16x128xi32, #tpu.memory_space<vmem>>, vector<16xi32>,
        %gather3A_622 = tpu.vector_load_idx %arg8[%get3A_621] : memref<102400xi32, #tpu.memory_space<vmem>>[vector<16xi32>], vector<16xi32>,
        %bitcast3A_623 = vector.bitcast %gather3A_622 : vector<16xi32> to vector<32xbf16>
        %unpack3A_624 = tpu.unpack_subelements %bitcast3A_623, 0 {pack_format = #tpu.pack_format<interleaved>} : vector<32xbf16> -> vector<16xf32>
        %unpack3A_625 = tpu.unpack_subelements %bitcast3A_623, 1 {pack_format = #tpu.pack_format<interleaved>} : vector<32xbf16> -> vector<16xf32>
        %add3A_626 = arith.addf %add3A_574, %unpack3A_624 : vector<16xf32>
        %add3A_627 = arith.addf %add3A_575, %unpack3A_625 : vector<16xf32>
        %add3A_628 = arith.addf %add3A_626, %add3A_587 : vector<16xf32>
        %add3A_629 = arith.addf %add3A_600, %add3A_613 : vector<16xf32>
        %add3A_630 = arith.addf %add3A_628, %add3A_629 : vector<16xf32>
        %broadcast_in_dim3A_631 = vector.shape_cast %and3A_77 : vector<16xi32> to vector<16x1xi32>
        %gather3A_632 = vector.shape_cast %broadcast_in_dim3A_631 : vector<16x1xi32> to vector<16xi32>
        %gather3A_633 = tpu.dynamic_gather %add3A_630[%gather3A_632] in [0] : vector<16xf32>, vector<16xi32> -> vector<16xf32>
        %add3A_634 = arith.addf %add3A_630, %gather3A_633 : vector<16xf32>
        %broadcast_in_dim3A_635 = vector.shape_cast %and3A_83 : vector<16xi32> to vector<16x1xi32>
        %gather3A_636 = vector.shape_cast %broadcast_in_dim3A_635 : vector<16x1xi32> to vector<16xi32>
        %gather3A_637 = tpu.dynamic_gather %add3A_634[%gather3A_636] in [0] : vector<16xf32>, vector<16xi32> -> vector<16xf32>
        %add3A_638 = arith.addf %add3A_634, %gather3A_637 : vector<16xf32>
        %broadcast_in_dim3A_639 = vector.shape_cast %and3A_89 : vector<16xi32> to vector<16x1xi32>
        %gather3A_640 = vector.shape_cast %broadcast_in_dim3A_639 : vector<16x1xi32> to vector<16xi32>
        %gather3A_641 = tpu.dynamic_gather %add3A_638[%gather3A_640] in [0] : vector<16xf32>, vector<16xi32> -> vector<16xf32>
        %add3A_642 = arith.addf %add3A_638, %gather3A_641 : vector<16xf32>
        %broadcast_in_dim3A_643 = vector.shape_cast %and3A_95 : vector<16xi32> to vector<16x1xi32>
        %gather3A_644 = vector.shape_cast %broadcast_in_dim3A_643 : vector<16x1xi32> to vector<16xi32>
        %gather3A_645 = tpu.dynamic_gather %add3A_642[%gather3A_644] in [0] : vector<16xf32>, vector<16xi32> -> vector<16xf32>
        %add3A_646 = arith.addf %add3A_642, %gather3A_645 : vector<16xf32>
        %add3A_647 = arith.addf %add3A_627, %add3A_588 : vector<16xf32>
        %add3A_648 = arith.addf %add3A_601, %add3A_614 : vector<16xf32>
        %add3A_649 = arith.addf %add3A_647, %add3A_648 : vector<16xf32>
        %broadcast_in_dim3A_650 = vector.shape_cast %and3A_77 : vector<16xi32> to vector<16x1xi32>
        %gather3A_651 = vector.shape_cast %broadcast_in_dim3A_650 : vector<16x1xi32> to vector<16xi32>
        %gather3A_652 = tpu.dynamic_gather %add3A_649[%gather3A_651] in [0] : vector<16xf32>, vector<16xi32> -> vector<16xf32>
        %add3A_653 = arith.addf %add3A_649, %gather3A_652 : vector<16xf32>
        %broadcast_in_dim3A_654 = vector.shape_cast %and3A_83 : vector<16xi32> to vector<16x1xi32>
        %gather3A_655 = vector.shape_cast %broadcast_in_dim3A_654 : vector<16x1xi32> to vector<16xi32>
        %gather3A_656 = tpu.dynamic_gather %add3A_653[%gather3A_655] in [0] : vector<16xf32>, vector<16xi32> -> vector<16xf32>
        %add3A_657 = arith.addf %add3A_653, %gather3A_656 : vector<16xf32>
        %broadcast_in_dim3A_658 = vector.shape_cast %and3A_89 : vector<16xi32> to vector<16x1xi32>
        %gather3A_659 = vector.shape_cast %broadcast_in_dim3A_658 : vector<16x1xi32> to vector<16xi32>
        %gather3A_660 = tpu.dynamic_gather %add3A_657[%gather3A_659] in [0] : vector<16xf32>, vector<16xi32> -> vector<16xf32>
        %add3A_661 = arith.addf %add3A_657, %gather3A_660 : vector<16xf32>
        %broadcast_in_dim3A_662 = vector.shape_cast %and3A_95 : vector<16xi32> to vector<16x1xi32>
        %gather3A_663 = vector.shape_cast %broadcast_in_dim3A_662 : vector<16x1xi32> to vector<16xi32>
        %gather3A_664 = tpu.dynamic_gather %add3A_661[%gather3A_663] in [0] : vector<16xf32>, vector<16xi32> -> vector<16xf32>
        %add3A_665 = arith.addf %add3A_661, %gather3A_664 : vector<16xf32>
        %eq3A_666 = vector.broadcast %add3A_458 : i32 to vector<16xi32>
        %eq3A_667 = arith.cmpi eq, %iota3A, %eq3A_666 : vector<16xi32>
        %select_n3A_668 = arith.select %eq3A_667, %add3A_646, %select_n3A : vector<16xi1>, vector<16xf32>
        %eq3A_669 = vector.broadcast %add3A_458 : i32 to vector<16xi32>
        %eq3A_670 = arith.cmpi eq, %iota3A, %eq3A_669 : vector<16xi32>
        %select_n3A_671 = arith.select %eq3A_670, %add3A_665, %select_n3A_454 : vector<16xi1>, vector<16xf32>
        scf.yield %select_n3A_668, %select_n3A_671 : vector<16xf32>, vector<16xf32>
      }
      %scan3A_214 = arith.constant 8 : i32
      %add3A_215 = arith.constant 2 : i32
      %add3A_216 = arith.addi %add3A_180, %add3A_215 : i32
      %lt3A_217 = arith.constant 8 : i32
      %lt3A_218 = arith.cmpi slt, %add3A_216, %lt3A_217 : i32
      %convert_element_type3A_219 = arith.extui %lt3A_218 : i1 to i32
      %cond3A_220 = arith.constant 0 : i32
      %cond3A_221 = arith.cmpi ne, %convert_element_type3A_219, %cond3A_220 : i32
      scf.if %cond3A_221 {
        %add3A_238 = arith.constant 2 : i32
        %add3A_239 = arith.addi %add3A_180, %add3A_238 : i32
        %mul3A_240 = arith.constant 16 : i32
        %mul3A_241 = arith.muli %add3A_239, %mul3A_240 : i32
        %add3A_242 = arith.addi %mul3A_2, %mul3A_241 : i32
        %dma_start3A_243 = arith.constant 1 : i32
        %dma_start3A_244 = arith.constant 0 : i32
        %dma_start3A_245 = arith.constant 0 : i32
        %dma_start3A_246 = arith.constant 0 : i32
        %dma_start3A_247 = tpu.memref_slice %arg9[%dma_start3A_243, %dma_start3A_244, %dma_start3A_245, %dma_start3A_246] : memref<2x2x16x128xi32, #tpu.memory_space<vmem>> -> memref<1x1x16x128xi32, #tpu.memory_space<vmem>>
        %dma_start3A_248 = tpu.memref_squeeze %dma_start3A_247 : memref<1x1x16x128xi32, #tpu.memory_space<vmem>> -> memref<16x128xi32, #tpu.memory_space<vmem>>
        %dma_start3A_249 = arith.constant 0 : i32
        %dma_start3A_250 = tpu.memref_slice %arg3[%add3A_242, %dma_start3A_249] : memref<4096x128xi32, #tpu.memory_space<hbm>> -> memref<16x128xi32, #tpu.memory_space<hbm>>
        %dma_start3A_251 = arith.constant 0 : i32
        %dma_start3A_252 = arith.constant 0 : i32
        %dma_start3A_253 = tpu.memref_slice %arg9[%dma_start3A_243, %dma_start3A_244, %dma_start3A_251, %dma_start3A_252] : memref<2x2x16x128xi32, #tpu.memory_space<vmem>> -> memref<1x1x16x128xi32, #tpu.memory_space<vmem>>
        %dma_start3A_254 = tpu.memref_squeeze %dma_start3A_253 : memref<1x1x16x128xi32, #tpu.memory_space<vmem>> -> memref<16x128xi32, #tpu.memory_space<vmem>>
        %dma_start3A_255 = arith.constant 0 : i32
        %dma_start3A_256 = tpu.memref_slice %arg3[%add3A_242, %dma_start3A_255] : memref<4096x128xi32, #tpu.memory_space<hbm>> -> memref<16x128xi32, #tpu.memory_space<hbm>>
        tpu.enqueue_dma source(%dma_start3A_256 : memref<16x128xi32, #tpu.memory_space<hbm>>) target(%dma_start3A_254 : memref<16x128xi32, #tpu.memory_space<vmem>>) target_semaphore(%arg15 : memref<!tpu.dma_semaphore, #tpu.memory_space<semaphore_mem>>)
        %dma_start3A_257 = arith.constant 1 : i32
        %dma_start3A_258 = arith.constant 1 : i32
        %dma_start3A_259 = arith.constant 0 : i32
        %dma_start3A_260 = arith.constant 0 : i32
        %dma_start3A_261 = tpu.memref_slice %arg9[%dma_start3A_257, %dma_start3A_258, %dma_start3A_259, %dma_start3A_260] : memref<2x2x16x128xi32, #tpu.memory_space<vmem>> -> memref<1x1x16x128xi32, #tpu.memory_space<vmem>>
        %dma_start3A_262 = tpu.memref_squeeze %dma_start3A_261 : memref<1x1x16x128xi32, #tpu.memory_space<vmem>> -> memref<16x128xi32, #tpu.memory_space<vmem>>
        %dma_start3A_263 = arith.constant 0 : i32
        %dma_start3A_264 = tpu.memref_slice %arg4[%add3A_242, %dma_start3A_263] : memref<4096x128xi32, #tpu.memory_space<hbm>> -> memref<16x128xi32, #tpu.memory_space<hbm>>
        %dma_start3A_265 = arith.constant 0 : i32
        %dma_start3A_266 = arith.constant 0 : i32
        %dma_start3A_267 = tpu.memref_slice %arg9[%dma_start3A_257, %dma_start3A_258, %dma_start3A_265, %dma_start3A_266] : memref<2x2x16x128xi32, #tpu.memory_space<vmem>> -> memref<1x1x16x128xi32, #tpu.memory_space<vmem>>
        %dma_start3A_268 = tpu.memref_squeeze %dma_start3A_267 : memref<1x1x16x128xi32, #tpu.memory_space<vmem>> -> memref<16x128xi32, #tpu.memory_space<vmem>>
        %dma_start3A_269 = arith.constant 0 : i32
        %dma_start3A_270 = tpu.memref_slice %arg4[%add3A_242, %dma_start3A_269] : memref<4096x128xi32, #tpu.memory_space<hbm>> -> memref<16x128xi32, #tpu.memory_space<hbm>>
        tpu.enqueue_dma source(%dma_start3A_270 : memref<16x128xi32, #tpu.memory_space<hbm>>) target(%dma_start3A_268 : memref<16x128xi32, #tpu.memory_space<vmem>>) target_semaphore(%arg15 : memref<!tpu.dma_semaphore, #tpu.memory_space<semaphore_mem>>)
      } else {
      }
      %mul3A_222 = arith.constant 16 : i32
      %mul3A_223 = arith.muli %add3A_180, %mul3A_222 : i32
      %get3A_224 = arith.index_cast %mul3A_223 : i32 to index
      %get3A_225 = tpu.vector_load %arg10[%get3A_224] {strides = array<i32>} : memref<128xf32, #tpu.memory_space<vmem>>, vector<16xf32>,
      %mul3A_226 = arith.mulf %scan3A_213#0, %get3A_225 : vector<16xf32>
      %add3A_227 = arith.addf %mul3A_226, %gather3A_101 : vector<16xf32>
      %swap3A_228 = arith.constant 0 : i32
      %swap3A_229 = arith.index_cast %swap3A_228 : i32 to index
      %swap3A_230 = arith.index_cast %mul3A_223 : i32 to index
      %swap3A_231 = tpu.vector_load %arg12[%swap3A_229, %swap3A_230] {strides = array<i32>} : memref<2x128xf32, #tpu.memory_space<vmem>>, vector<16xf32>,
      tpu.vector_store %arg12[%swap3A_229, %swap3A_230], %add3A_227 {strides = array<i32>} : memref<2x128xf32, #tpu.memory_space<vmem>>, vector<16xf32>,
      %mul3A_232 = arith.mulf %scan3A_213#1, %get3A_225 : vector<16xf32>
      %add3A_233 = arith.addf %mul3A_232, %gather3A_108 : vector<16xf32>
      %swap3A_234 = arith.constant 1 : i32
      %swap3A_235 = arith.index_cast %swap3A_234 : i32 to index
      %swap3A_236 = arith.index_cast %mul3A_223 : i32 to index
      %swap3A_237 = tpu.vector_load %arg12[%swap3A_235, %swap3A_236] {strides = array<i32>} : memref<2x128xf32, #tpu.memory_space<vmem>>, vector<16xf32>,
      tpu.vector_store %arg12[%swap3A_235, %swap3A_236], %add3A_233 {strides = array<i32>} : memref<2x128xf32, #tpu.memory_space<vmem>>, vector<16xf32>,
    }
    %scan3A_113 = arith.constant 4 : i32
    %run_scoped3A = arith.constant 0 : i32
    %run_scoped3A_114 = arith.constant 0 : i32
    "tpu.region"() ({
      %run_scoped3A_117 = tpu.sem_alloc : memref<!tpu.dma_semaphore, #tpu.memory_space<semaphore_mem>>
      %dma_start3A_118 = arith.constant 0 : i32
      %dma_start3A_119 = tpu.memref_slice %arg12[%run_scoped3A, %dma_start3A_118] : memref<2x128xf32, #tpu.memory_space<vmem>> -> memref<1x128xf32, #tpu.memory_space<vmem>>
      %dma_start3A_120 = tpu.memref_squeeze %dma_start3A_119 : memref<1x128xf32, #tpu.memory_space<vmem>> -> memref<128xf32, #tpu.memory_space<vmem>>
      %dma_start3A_121 = tpu.memref_slice %arg7[%run_scoped3A_114, %mul3A_2] : memref<2x4096xf32, #tpu.memory_space<hbm>> -> memref<1x128xf32, #tpu.memory_space<hbm>>
      %dma_start3A_122 = tpu.memref_squeeze %dma_start3A_121 : memref<1x128xf32, #tpu.memory_space<hbm>> -> memref<128xf32, #tpu.memory_space<hbm>>
      %dma_start3A_123 = tpu.memref_slice %arg7[%run_scoped3A_114, %mul3A_2] : memref<2x4096xf32, #tpu.memory_space<hbm>> -> memref<1x128xf32, #tpu.memory_space<hbm>>
      %dma_start3A_124 = tpu.memref_squeeze %dma_start3A_123 : memref<1x128xf32, #tpu.memory_space<hbm>> -> memref<128xf32, #tpu.memory_space<hbm>>
      %dma_start3A_125 = arith.constant 0 : i32
      %dma_start3A_126 = tpu.memref_slice %arg12[%run_scoped3A, %dma_start3A_125] : memref<2x128xf32, #tpu.memory_space<vmem>> -> memref<1x128xf32, #tpu.memory_space<vmem>>
      %dma_start3A_127 = tpu.memref_squeeze %dma_start3A_126 : memref<1x128xf32, #tpu.memory_space<vmem>> -> memref<128xf32, #tpu.memory_space<vmem>>
      tpu.enqueue_dma source(%dma_start3A_127 : memref<128xf32, #tpu.memory_space<vmem>>) target(%dma_start3A_124 : memref<128xf32, #tpu.memory_space<hbm>>) target_semaphore(%run_scoped3A_117 : memref<!tpu.dma_semaphore, #tpu.memory_space<semaphore_mem>>)
      %dma_wait3A_128 = arith.constant 0 : i32
      %dma_wait3A_129 = tpu.memref_slice %arg12[%run_scoped3A, %dma_wait3A_128] : memref<2x128xf32, #tpu.memory_space<vmem>> -> memref<1x128xf32, #tpu.memory_space<vmem>>
      %dma_wait3A_130 = tpu.memref_squeeze %dma_wait3A_129 : memref<1x128xf32, #tpu.memory_space<vmem>> -> memref<128xf32, #tpu.memory_space<vmem>>
      %dma_wait3A_131 = tpu.memref_slice %arg7[%run_scoped3A_114, %mul3A_2] : memref<2x4096xf32, #tpu.memory_space<hbm>> -> memref<1x128xf32, #tpu.memory_space<hbm>>
      %dma_wait3A_132 = tpu.memref_squeeze %dma_wait3A_131 : memref<1x128xf32, #tpu.memory_space<hbm>> -> memref<128xf32, #tpu.memory_space<hbm>>
      %dma_wait3A_133 = tpu.memref_slice %arg7[%run_scoped3A_114, %mul3A_2] : memref<2x4096xf32, #tpu.memory_space<hbm>> -> memref<1x128xf32, #tpu.memory_space<hbm>>
      %dma_wait3A_134 = tpu.memref_squeeze %dma_wait3A_133 : memref<1x128xf32, #tpu.memory_space<hbm>> -> memref<128xf32, #tpu.memory_space<hbm>>
      %dma_wait3A_135 = arith.constant 0 : i32
      %dma_wait3A_136 = tpu.memref_slice %arg12[%run_scoped3A, %dma_wait3A_135] : memref<2x128xf32, #tpu.memory_space<vmem>> -> memref<1x128xf32, #tpu.memory_space<vmem>>
      %dma_wait3A_137 = tpu.memref_squeeze %dma_wait3A_136 : memref<1x128xf32, #tpu.memory_space<vmem>> -> memref<128xf32, #tpu.memory_space<vmem>>
      tpu.wait_dma2 semaphore(%run_scoped3A_117 : memref<!tpu.dma_semaphore, #tpu.memory_space<semaphore_mem>>) src(%dma_wait3A_137 : memref<128xf32, #tpu.memory_space<vmem>>) dst(%dma_wait3A_134 : memref<128xf32, #tpu.memory_space<hbm>>)
      tpu.yield
    }) : () -> ()
    %run_scoped3A_115 = arith.constant 1 : i32
    %run_scoped3A_116 = arith.constant 1 : i32
    "tpu.region"() ({
      %run_scoped3A_117 = tpu.sem_alloc : memref<!tpu.dma_semaphore, #tpu.memory_space<semaphore_mem>>
      %dma_start3A_118 = arith.constant 0 : i32
      %dma_start3A_119 = tpu.memref_slice %arg12[%run_scoped3A_115, %dma_start3A_118] : memref<2x128xf32, #tpu.memory_space<vmem>> -> memref<1x128xf32, #tpu.memory_space<vmem>>
      %dma_start3A_120 = tpu.memref_squeeze %dma_start3A_119 : memref<1x128xf32, #tpu.memory_space<vmem>> -> memref<128xf32, #tpu.memory_space<vmem>>
      %dma_start3A_121 = tpu.memref_slice %arg7[%run_scoped3A_116, %mul3A_2] : memref<2x4096xf32, #tpu.memory_space<hbm>> -> memref<1x128xf32, #tpu.memory_space<hbm>>
      %dma_start3A_122 = tpu.memref_squeeze %dma_start3A_121 : memref<1x128xf32, #tpu.memory_space<hbm>> -> memref<128xf32, #tpu.memory_space<hbm>>
      %dma_start3A_123 = tpu.memref_slice %arg7[%run_scoped3A_116, %mul3A_2] : memref<2x4096xf32, #tpu.memory_space<hbm>> -> memref<1x128xf32, #tpu.memory_space<hbm>>
      %dma_start3A_124 = tpu.memref_squeeze %dma_start3A_123 : memref<1x128xf32, #tpu.memory_space<hbm>> -> memref<128xf32, #tpu.memory_space<hbm>>
      %dma_start3A_125 = arith.constant 0 : i32
      %dma_start3A_126 = tpu.memref_slice %arg12[%run_scoped3A_115, %dma_start3A_125] : memref<2x128xf32, #tpu.memory_space<vmem>> -> memref<1x128xf32, #tpu.memory_space<vmem>>
      %dma_start3A_127 = tpu.memref_squeeze %dma_start3A_126 : memref<1x128xf32, #tpu.memory_space<vmem>> -> memref<128xf32, #tpu.memory_space<vmem>>
      tpu.enqueue_dma source(%dma_start3A_127 : memref<128xf32, #tpu.memory_space<vmem>>) target(%dma_start3A_124 : memref<128xf32, #tpu.memory_space<hbm>>) target_semaphore(%run_scoped3A_117 : memref<!tpu.dma_semaphore, #tpu.memory_space<semaphore_mem>>)
      %dma_wait3A_128 = arith.constant 0 : i32
      %dma_wait3A_129 = tpu.memref_slice %arg12[%run_scoped3A_115, %dma_wait3A_128] : memref<2x128xf32, #tpu.memory_space<vmem>> -> memref<1x128xf32, #tpu.memory_space<vmem>>
      %dma_wait3A_130 = tpu.memref_squeeze %dma_wait3A_129 : memref<1x128xf32, #tpu.memory_space<vmem>> -> memref<128xf32, #tpu.memory_space<vmem>>
      %dma_wait3A_131 = tpu.memref_slice %arg7[%run_scoped3A_116, %mul3A_2] : memref<2x4096xf32, #tpu.memory_space<hbm>> -> memref<1x128xf32, #tpu.memory_space<hbm>>
      %dma_wait3A_132 = tpu.memref_squeeze %dma_wait3A_131 : memref<1x128xf32, #tpu.memory_space<hbm>> -> memref<128xf32, #tpu.memory_space<hbm>>
      %dma_wait3A_133 = tpu.memref_slice %arg7[%run_scoped3A_116, %mul3A_2] : memref<2x4096xf32, #tpu.memory_space<hbm>> -> memref<1x128xf32, #tpu.memory_space<hbm>>
      %dma_wait3A_134 = tpu.memref_squeeze %dma_wait3A_133 : memref<1x128xf32, #tpu.memory_space<hbm>> -> memref<128xf32, #tpu.memory_space<hbm>>
      %dma_wait3A_135 = arith.constant 0 : i32
      %dma_wait3A_136 = tpu.memref_slice %arg12[%run_scoped3A_115, %dma_wait3A_135] : memref<2x128xf32, #tpu.memory_space<vmem>> -> memref<1x128xf32, #tpu.memory_space<vmem>>
      %dma_wait3A_137 = tpu.memref_squeeze %dma_wait3A_136 : memref<1x128xf32, #tpu.memory_space<vmem>> -> memref<128xf32, #tpu.memory_space<vmem>>
      tpu.wait_dma2 semaphore(%run_scoped3A_117 : memref<!tpu.dma_semaphore, #tpu.memory_space<semaphore_mem>>) src(%dma_wait3A_137 : memref<128xf32, #tpu.memory_space<vmem>>) dst(%dma_wait3A_134 : memref<128xf32, #tpu.memory_space<hbm>>)
      tpu.yield
    }) : () -> ()
    return
  }
}

module attributes {stable_mosaic.version = 14 : i64} {
  func.func @_prep_body(%arg0: i32, %arg1: memref<200x512xi32, #tpu.memory_space<vmem>>, %arg2: memref<200x512xi32, #tpu.memory_space<vmem>>, %arg3: memref<512x128xi32, #tpu.memory_space<vmem>>, %arg4: memref<512x128xi32, #tpu.memory_space<vmem>>, %arg5: memref<8x512xf32, #tpu.memory_space<vmem>>) attributes {dimension_semantics = [#tpu.dimension_semantics<arbitrary>], iteration_bounds = array<i64: 8>, scalar_prefetch = 0 : i64, scratch_operands = 0 : i64, tpu.core_type = #tpu.core_type<tc>, window_params = [{transform_indices = @transform_0, window_bounds = array<i64: 200, 512>}, {transform_indices = @transform_1, window_bounds = array<i64: 200, 512>}, {transform_indices = @transform_2, window_bounds = array<i64: 512, 128>}, {transform_indices = @transform_3, window_bounds = array<i64: 512, 128>}, {transform_indices = @transform_4, window_bounds = array<i64: 8, 512>}]} {
    %get3A = arith.constant 0 : index
    %get3A_0 = arith.constant 0 : index
    %get3A_1 = vector.load %arg1[%get3A, %get3A_0] : memref<200x512xi32, #tpu.memory_space<vmem>>, vector<200x512xi32>
    %get3A_2 = arith.constant 0 : index
    %get3A_3 = arith.constant 0 : index
    %get3A_4 = vector.load %arg2[%get3A_2, %get3A_3] : memref<200x512xi32, #tpu.memory_space<vmem>>, vector<200x512xi32>
    %gt3A = arith.constant 0 : i32
    %gt3A_5 = vector.broadcast %gt3A : i32 to vector<200x512xi32>
    %gt3A_6 = arith.cmpi sgt, %get3A_4, %gt3A_5 : vector<200x512xi32>
    %jit3A = arith.constant 100000 : i32
    %broadcast_in_dim3A = vector.broadcast %jit3A : i32 to vector<200x512xi32>
    %select_n3A = arith.select %gt3A_6, %get3A_1, %broadcast_in_dim3A : vector<200x512xi1>, vector<200x512xi32>
    %broadcast_in_dim3A_7 = arith.constant 100000 : i32
    %broadcast_in_dim3A_8 = vector.broadcast %broadcast_in_dim3A_7 : i32 to vector<56x512xi32>
    %concatenate3A = tpu.concatenate %select_n3A, %broadcast_in_dim3A_8 in 0 : vector<200x512xi32>, vector<56x512xi32> -> vector<256x512xi32>
    %slice3A = vector.extract_strided_slice %concatenate3A {offsets = [0, 0], sizes = [128, 512], strides = [1, 1]} : vector<256x512xi32> to vector<128x512xi32>
    %transpose3A = tpu.transpose %slice3A, [1, 0] : vector<128x512xi32> -> vector<512x128xi32>
    %swap3A = arith.constant 0 : index
    %swap3A_9 = arith.constant 0 : index
    %swap3A_10 = vector.load %arg3[%swap3A, %swap3A_9] : memref<512x128xi32, #tpu.memory_space<vmem>>, vector<512x128xi32>
    tpu.vector_store %arg3[%swap3A, %swap3A_9], %transpose3A {strides = array<i32>} : memref<512x128xi32, #tpu.memory_space<vmem>>, vector<512x128xi32>,
    %slice3A_11 = vector.extract_strided_slice %concatenate3A {offsets = [128, 0], sizes = [128, 512], strides = [1, 1]} : vector<256x512xi32> to vector<128x512xi32>
    %transpose3A_12 = tpu.transpose %slice3A_11, [1, 0] : vector<128x512xi32> -> vector<512x128xi32>
    %swap3A_13 = arith.constant 0 : index
    %swap3A_14 = arith.constant 0 : index
    %swap3A_15 = vector.load %arg4[%swap3A_13, %swap3A_14] : memref<512x128xi32, #tpu.memory_space<vmem>>, vector<512x128xi32>
    tpu.vector_store %arg4[%swap3A_13, %swap3A_14], %transpose3A_12 {strides = array<i32>} : memref<512x128xi32, #tpu.memory_space<vmem>>, vector<512x128xi32>,
    %convert_element_type3A = arith.sitofp %get3A_4 : vector<200x512xi32> to vector<200x512xf32>
    %reduce_sum3A = arith.constant dense<0.000000e+00> : vector<512xf32>
    %reduce_sum3A_16 = vector.multi_reduction <add>, %convert_element_type3A, %reduce_sum3A [0] : vector<200x512xf32> to vector<512xf32>
    %max3A = arith.constant 1.000000e+00 : f32
    %max3A_17 = vector.broadcast %max3A : f32 to vector<512xf32>
    %max3A_18 = arith.maximumf %reduce_sum3A_16, %max3A_17 : vector<512xf32>
    %div3A = arith.constant 1.000000e+00 : f32
    %div3A_19 = vector.broadcast %div3A : f32 to vector<512xf32>
    %div3A_20 = arith.divf %div3A_19, %max3A_18 : vector<512xf32>
    %broadcast_in_dim3A_21 = vector.shape_cast %div3A_20 : vector<512xf32> to vector<1x512xf32>
    %broadcast_in_dim3A_22 = vector.shape_cast %broadcast_in_dim3A_21 : vector<1x512xf32> to vector<1x512xf32>
    %broadcast_in_dim3A_23 = vector.broadcast %broadcast_in_dim3A_22 : vector<1x512xf32> to vector<8x512xf32>
    %swap3A_24 = arith.constant 0 : index
    %swap3A_25 = arith.constant 0 : index
    %swap3A_26 = vector.load %arg5[%swap3A_24, %swap3A_25] : memref<8x512xf32, #tpu.memory_space<vmem>>, vector<8x512xf32>
    tpu.vector_store %arg5[%swap3A_24, %swap3A_25], %broadcast_in_dim3A_23 {strides = array<i32>} : memref<8x512xf32, #tpu.memory_space<vmem>>, vector<8x512xf32>,
    return
  }
  func.func @transform_0(%arg0: i32) -> (i32, i32) {
    %c0_i32 = arith.constant 0 : i32
    %c0_i32_0 = arith.constant 0 : i32
    return %c0_i32, %arg0 : i32, i32
  }
  func.func @transform_1(%arg0: i32) -> (i32, i32) {
    %c0_i32 = arith.constant 0 : i32
    %c0_i32_0 = arith.constant 0 : i32
    return %c0_i32, %arg0 : i32, i32
  }
  func.func @transform_2(%arg0: i32) -> (i32, i32) {
    %c0_i32 = arith.constant 0 : i32
    %c0_i32_0 = arith.constant 0 : i32
    return %arg0, %c0_i32 : i32, i32
  }
  func.func @transform_3(%arg0: i32) -> (i32, i32) {
    %c0_i32 = arith.constant 0 : i32
    %c0_i32_0 = arith.constant 0 : i32
    return %arg0, %c0_i32 : i32, i32
  }
  func.func @transform_4(%arg0: i32) -> (i32, i32) {
    %c0_i32 = arith.constant 0 : i32
    %c0_i32_0 = arith.constant 0 : i32
    return %c0_i32, %arg0 : i32, i32
  }
}

module attributes {stable_mosaic.version = 14 : i64} {
  func.func @_proj_body(%arg0: i32, %arg1: memref<2x64xf32, #tpu.memory_space<vmem>>, %arg2: memref<64x51200xf32, #tpu.memory_space<vmem>>, %arg3: memref<51200xi32, #tpu.memory_space<vmem>>) attributes {dimension_semantics = [#tpu.dimension_semantics<arbitrary>], iteration_bounds = array<i64: 2>, scalar_prefetch = 0 : i64, scratch_operands = 0 : i64, tpu.core_type = #tpu.core_type<tc>, window_params = [{pipeline_mode = #tpu.pipeline_mode<synchronous>, transform_indices = @transform_0, window_bounds = array<i64: 2, 64>}, {transform_indices = @transform_1, window_bounds = array<i64: 64, 51200>}, {transform_indices = @transform_2, window_bounds = array<i64: 51200>}]} {
    %get3A = arith.constant 0 : index
    %get3A_0 = arith.constant 0 : index
    %get3A_1 = vector.load %arg1[%get3A, %get3A_0] : memref<2x64xf32, #tpu.memory_space<vmem>>, vector<2x64xf32>
    %get3A_2 = arith.constant 0 : index
    %get3A_3 = arith.constant 0 : index
    %get3A_4 = vector.load %arg2[%get3A_2, %get3A_3] : memref<64x51200xf32, #tpu.memory_space<vmem>>, vector<64x51200xf32>
    %dot_general3A = arith.constant dense<0.000000e+00> : vector<2x51200xf32>
    %dot_general3A_5 = tpu.matmul %get3A_1, %get3A_4, %dot_general3A {dimension_numbers = #tpu.dot_dimension_numbers<[1], [0], [0], [1], [0, 0, 1, 1], [], []>, transpose_lhs_hint = false} : vector<2x64xf32>, vector<64x51200xf32>, vector<2x51200xf32> -> vector<2x51200xf32>
    %mul3A = arith.constant 51200 : i32
    %mul3A_6 = arith.muli %arg0, %mul3A : i32
    %iota3A = tpu.iota {dimensions = array<i32: 1>} : vector<2x51200xi32>
    %add3A = vector.broadcast %mul3A_6 : i32 to vector<2x51200xi32>
    %add3A_7 = arith.addi %add3A, %iota3A : vector<2x51200xi32>
    %lt3A = arith.constant 100000 : i32
    %lt3A_8 = vector.broadcast %lt3A : i32 to vector<2x51200xi32>
    %lt3A_9 = arith.cmpi slt, %add3A_7, %lt3A_8 : vector<2x51200xi32>
    %jit3A = arith.constant 0.000000e+00 : f32
    %broadcast_in_dim3A = vector.broadcast %jit3A : f32 to vector<2x51200xf32>
    %select_n3A = arith.select %lt3A_9, %dot_general3A_5, %broadcast_in_dim3A : vector<2x51200xi1>, vector<2x51200xf32>
    %convert_element_type3A = arith.truncf %select_n3A : vector<2x51200xf32> to vector<2x51200xbf16>
    %slice3A = vector.extract_strided_slice %convert_element_type3A {offsets = [0, 0], sizes = [1, 51200], strides = [1, 1]} : vector<2x51200xbf16> to vector<1x51200xbf16>
    %squeeze3A = vector.shape_cast %slice3A : vector<1x51200xbf16> to vector<51200xbf16>
    %bitcast_convert_type3A = tpu.bitcast %squeeze3A : vector<51200xbf16> -> vector<51200xi16>
    %convert_element_type3A_10 = arith.extui %bitcast_convert_type3A : vector<51200xi16> to vector<51200xi32>
    %slice3A_11 = vector.extract_strided_slice %convert_element_type3A {offsets = [1, 0], sizes = [1, 51200], strides = [1, 1]} : vector<2x51200xbf16> to vector<1x51200xbf16>
    %squeeze3A_12 = vector.shape_cast %slice3A_11 : vector<1x51200xbf16> to vector<51200xbf16>
    %bitcast_convert_type3A_13 = tpu.bitcast %squeeze3A_12 : vector<51200xbf16> -> vector<51200xi16>
    %convert_element_type3A_14 = arith.extui %bitcast_convert_type3A_13 : vector<51200xi16> to vector<51200xi32>
    %shift_left3A = arith.constant 16 : i32
    %shift_left3A_15 = vector.broadcast %shift_left3A : i32 to vector<51200xi32>
    %shift_left3A_16 = arith.shli %convert_element_type3A_14, %shift_left3A_15 : vector<51200xi32>
    %or3A = arith.ori %convert_element_type3A_10, %shift_left3A_16 : vector<51200xi32>
    %bitcast_convert_type3A_17 = tpu.bitcast %or3A : vector<51200xi32> -> vector<51200xi32>
    %swap3A = arith.constant 0 : index
    %swap3A_18 = vector.load %arg3[%swap3A] : memref<51200xi32, #tpu.memory_space<vmem>>, vector<51200xi32>
    tpu.vector_store %arg3[%swap3A], %bitcast_convert_type3A_17 {strides = array<i32>} : memref<51200xi32, #tpu.memory_space<vmem>>, vector<51200xi32>,
    return
  }
  func.func @transform_0(%arg0: i32) -> (i32, i32) {
    %c0_i32 = arith.constant 0 : i32
    %c0_i32_0 = arith.constant 0 : i32
    %c0_i32_1 = arith.constant 0 : i32
    return %c0_i32, %c0_i32_0 : i32, i32
  }
  func.func @transform_1(%arg0: i32) -> (i32, i32) {
    %c0_i32 = arith.constant 0 : i32
    %c0_i32_0 = arith.constant 0 : i32
    return %c0_i32, %arg0 : i32, i32
  }
  func.func @transform_2(%arg0: i32) -> i32 {
    %c0_i32 = arith.constant 0 : i32
    return %arg0 : i32
  }
}

</mosaic_0001>

<sc_bundles>
// kernel: kernel.5.cloned.1.call-start
scs
__scs_entry_jumppad:
0x0: {  	(pc) =	sbr.rel $0x88, $3  }
0x1: {  	(tag) =	ssettag $0x0;
	lr =	simm.s32 $0x1  }
0x2: {  	[smem:$0x3F9C] =	sst lr;
	_ =	strace $0xD0000000  }
0x3: {  	_ = 	snop  }
0x4: {  	_ = 	snop  }
0x5: {  	_ = 	snop  }
0x6: {  	_ = 	snop  }
0x7: {  	_ = 	snop  }
__scs_overlays_trampoline_lowered:
0x8: {  	[smem:$0x3FAB] =	sst s0  }
0x9: {  	[smem:$0x3FAC] =	sst s1  }
0xa: {  	[smem:$0x3FAD] =	sst s2  }
0xb: {  	[smem:$0x3FAE] =	sst s3  }
0xc: {  	[smem:$0x3FAF] =	sst s4  }
0xd: {  	[smem:$0x3FB0] =	sst s5  }
0xe: {  	[smem:$0x3FB1] =	sst s6  }
0xf: {  	[smem:$0x3FB2] =	sst s7  }
0x10: {  	[smem:$0x3FB3] =	sst s8  }
0x11: {  	[smem:$0x3FB4] =	sst s9;
	s0 =	simm.s32 @!p0 $0x0  }
0x12: {  	s1 =	sld [smem:$0x3F9A];
	s0 =	simm.s32 @p0 $0x1  }
0x13: {  	[smem:$0x3FB5] =	sst s0;
	s0 =	simm.s32 @!p1 $0x0  }
0x14: {  	s2 =	sld [smem:$0x3F99];
	s0 =	simm.s32 @p1 $0x1  }
0x15: {  	[smem:$0x3FB6] =	sst s0;
	s0 =	simm.s32 @!p2 $0x0  }
0x16: {  	s3 =	sld [smem:$0x3FDB];
	s0 =	simm.s32 @p2 $0x1  }
0x17: {  	s4 =	simm.s32 $0x1BF5;
	[smem:$0x3FB8] =	sst s0  }
0x18: {  	s0 =	sld [smem:$0x3F9B];
	_ =	swait.ge [sflag:s4], $0x0  }
0x19: {  	s7 =	sld [smem:$0x3F9C]  }
0x1a: {  	s8 =	sadd.s32 $0xFFFFE003, lr  }
0x1b: {  	s9 =	sadd.s32 $0xFFFFFEF7, lr;
	s5 =	simm.s32 $0xFFFFFFFF;
	p2 =	slt.u32 s8, $0xFFFFF086  }
0x1c: {  	p1 =	slt.u32 s9, $0xF7A;
	s5 =	simm.s32 @!p2 $0x0  }
0x1d: {  	s5 =	simm.s32 @p1 $0x1;
	p0 =	seq.s32 s7, s2  }
0x1e: {  	s7 =	smul.u32 @!p0 $0xF7A, s2;
	p2 =	seq.s32 @!p0 s5, $0x0  }
0x1f: {  	s9 =	smul.u32 $0xF7A, s1;
	s8 =	simm.s32 @!p0 $0x1BF5;
	p2 =	por !p2, p0  }
0x20: {  	[sflag:s8] =	ssyncset.s32 @!p0 $0xFFFFF086;
	s6 =	sadd.s32 @!p0 s3, s7;
	s7 =	simm.s32 @!p0 $0x108  }
0x21: {  	s3 =	sadd.s32 s3, s9;
	s6 =	sadd.s32 @!p0 $0x88, s6;
	s7 =	simm.s32 @p2 $0x1082  }
0x22: {  	[simem:s7], [sflag:s8] =	dma.local @!p0 [hbm:s6], $0xF7A  }
0x23: {  	s9 =	sor.u32 $0xD0000000, s2;
	s6 =	simm.s32 $0x108;
	_ =	swait.ge @!p0 [sflag:s8], $0x0  }
0x24: {  	s3 =	sadd.s32 $0x88, s3;
	s6 =	simm.s32 @!p1 $0x1082;
	[sflag:s4] =	ssyncset.s32 $0xFFFFF086  }
0x25: {  	[simem:s6], [sflag:s4] =	dma.local [hbm:s3], $0xF7A  }
0x26: {  	[smem:$0x3F9C] =	sst s1;
	(tag) =	ssettag s2;
	_ =	strace s9  }
0x27: {  	s1 =	sld [smem:$0x3FAC]  }
0x28: {  	s2 =	sld [smem:$0x3FAD]  }
0x29: {  	s4 =	sld [smem:$0x3FAF]  }
0x2a: {  	p0 =	seq.s32 s5, $0x0;
	s5 =	sld [smem:$0x3FB0]  }
0x2b: {  	s6 =	sld [smem:$0x3FB1]  }
0x2c: {  	s7 =	sld [smem:$0x3FB2]  }
0x2d: {  	s3 =	simm.s32 $0x108;
	s8 =	sld [smem:$0x3FB3]  }
0x2e: {  	s3 =	simm.s32 @!p0 $0x1082;
	s9 =	sld [smem:$0x3FB4]  }
0x2f: {  	lr =	sadd.s32 s0, s3;
	s0 =	sld [smem:$0x3FAB]  }
0x30: {  	s3 =	sld [smem:$0x3FAE]  }
0x31: {  	[smem:$0x3FB7] =	sst s10  }
0x32: {  	s10 =	sld [smem:$0x3FB5];
	_ =	sdelay $0x3  }
0x33: {  	p0 =	seq.s32 s10, $0x1;
	s10 =	sld [smem:$0x3FB7];
	_ =	sdelay $0x3  }
0x34: {  	[smem:$0x3FB7] =	sst s10  }
0x35: {  	s10 =	sld [smem:$0x3FB6];
	_ =	sdelay $0x3  }
0x36: {  	p1 =	seq.s32 s10, $0x1;
	s10 =	sld [smem:$0x3FB7];
	_ =	sdelay $0x3  }
0x37: {  	[smem:$0x3FB7] =	sst s10  }
0x38: {  	s10 =	sld [smem:$0x3FB8]  }
0x39: {  	_ = 	snop;
	(pc) =	sbr.ind lr, $3  }
0x3a: {  	_ = 	snop  }
0x3b: {  	_ = 	snop  }
0x3c: {  	p2 =	seq.s32 s10, $0x1;
	s10 =	sld [smem:$0x3FB7]  }
0x3d: {  	_ =	shalt  }
0x3e: {  	_ =	shalt  }
0x3f: {  	_ =	shalt  }
0x40: {  	_ =	shalt  }
0x41: {  	_ =	shalt  }
0x42: {  	_ =	shalt  }
0x43: {  	_ =	shalt  }
0x44: {  	_ =	shalt  }
0x45: {  	_ =	shalt  }
0x46: {  	_ =	shalt  }
0x47: {  	_ =	shalt  }
0x48: {  	_ =	shalt  }
0x49: {  	_ =	shalt  }
0x4a: {  	_ =	shalt  }
0x4b: {  	_ =	shalt  }
0x4c: {  	_ =	shalt  }
0x4d: {  	_ =	shalt  }
0x4e: {  	_ =	shalt  }
0x4f: {  	_ =	shalt  }
0x50: {  	_ =	shalt  }
0x51: {  	_ =	shalt  }
0x52: {  	_ =	shalt  }
0x53: {  	_ =	shalt  }
0x54: {  	_ =	shalt  }
0x55: {  	_ =	shalt  }
0x56: {  	_ =	shalt  }
0x57: {  	_ =	shalt  }
0x58: {  	_ =	shalt  }
0x59: {  	_ =	shalt  }
0x5a: {  	_ =	shalt  }
0x5b: {  	_ =	shalt  }
0x5c: {  	_ =	shalt  }
0x5d: {  	_ =	shalt  }
0x5e: {  	_ =	shalt  }
0x5f: {  	_ =	shalt  }
0x60: {  	_ =	shalt  }
0x61: {  	_ =	shalt  }
0x62: {  	_ =	shalt  }
0x63: {  	_ =	shalt  }
0x64: {  	_ =	shalt  }
0x65: {  	_ =	shalt  }
0x66: {  	_ =	shalt  }
0x67: {  	_ =	shalt  }
0x68: {  	_ =	shalt  }
0x69: {  	_ =	shalt  }
0x6a: {  	_ =	shalt  }
0x6b: {  	_ =	shalt  }
0x6c: {  	_ =	shalt  }
0x6d: {  	_ =	shalt  }
0x6e: {  	_ =	shalt  }
0x6f: {  	_ =	shalt  }
0x70: {  	_ =	shalt  }
0x71: {  	_ =	shalt  }
0x72: {  	_ =	shalt  }
0x73: {  	_ =	shalt  }
0x74: {  	_ =	shalt  }
0x75: {  	_ =	shalt  }
0x76: {  	_ =	shalt  }
0x77: {  	_ =	shalt  }
0x78: {  	_ =	shalt  }
0x79: {  	_ =	shalt  }
0x7a: {  	_ =	shalt  }
0x7b: {  	_ =	shalt  }
0x7c: {  	_ =	shalt  }
0x7d: {  	_ =	shalt  }
0x7e: {  	_ =	shalt  }
0x7f: {  	_ =	shalt  }
0x80: {  	_ =	shalt  }
0x81: {  	_ =	shalt  }
0x82: {  	_ =	shalt  }
0x83: {  	_ =	shalt  }
0x84: {  	_ =	shalt  }
0x85: {  	_ =	shalt  }
0x86: {  	_ =	shalt  }
0x87: {  	_ =	shalt  }
.Lfunc_end0:
.L_simem_size_0:
called_computation_lowered:
.L_overlay_start_0:
0x88: {  	s2 =	sld [smem:$0x3FD9]  }
0x89: {  	s3 =	sld [smem:$0x3FFE];
	_ =	sdelay $0x1  }
0x8a: {  	s1 =	srdreg.scid  }
0x8b: {  	s0 =	sand.u32 $0x1, s1  }
0x8c: {  	s17 =	sshll.u32 s0, $0xA;
	s2 =	sadd.s32 s3, s2  }
0x8d: {  	s2 =	sadd.s32 s2, s17  }
0x8e: {  	[smem:$0x3FC3] =	sst s2  }
0x8f: {  	_ = 	snop  }
0x90: {  	s2 =	sld [smem:$0x3FD0];
	(tm) =	ssettm $0x1  }
0x91: {  	s18 =	sld [smem:$0x3FFB];
	_ =	sdelay $0x3  }
0x92: {  	_ =	strace s18  }
0x93: {  	s3 =	sld [smem:$0x3FFC];
	_ =	sdelay $0x3  }
0x94: {  	_ =	strace s3  }
0x95: {  	s3 =	sld [smem:$0x3FFD];
	_ =	sdelay $0x3  }
0x96: {  	_ =	strace s3  }
0x97: {  	_ =	strace $0x8FFFFFFF  }
0x98: {  	s19 =	sld [smem:$0x3FDB];
	_ =	sdelay $0x1  }
0x99: {  	s4 =	simm.s32 $_scs_section_size  }
0x9a: {  	s5 =	simm.s32 $_size__tile_overlayer_lowered;
	s6 =	simm.s32 $_tile_overlayer_lowered  }
0x9b: {  	s22 =	simm.s32 $0x1BFF;
	s21 =	sshll.u32 s6, $0x1;
	s3 =	sadd.s32 s4, s19  }
0x9c: {  	s7 =	simm.s32 $0x0;
	s20 =	sshll.u32 s5, $0x1;
	s5 =	sadd.s32 s21, s3  }
0x9d: {  	[timem:s7], [sflag:s22] =	dma.local [hbm:s5], s20  }
0x9e: {  	_ =	swait.ge [sflag:s22], s20  }
0x9f: {  	s4 =	ssub.s32 $0x0, s20;
	[sflag:s22] =	ssyncset.done $0x0  }
0xa0: {  	[sflag:s22] =	ssyncadd.s32 s4;
	_ =	sdelay $0x1  }
0xa1: {  	s23 =	simm.s32 $0x1B8B  }
0xa2: {  	_ =	swait.ge [sflag:s23], $0x1  }
0xa3: {  	[sflag:s23] =	ssyncset.done $0x0  }
0xa4: {  	s25 =	simm.s32 $0x1B8E;
	s24 =	sld [smem:$0x3FFE];
	[sflag:s23] =	ssyncadd.s32 $0xFFFFFFFF  }
0xa5: {  	s26 =	simm.s32 $execute0_lowered;
	[smem:$0x3FD2] =	sst s25  }
0xa6: {  	s5 =	sshll.u32 s26, $0x1;
	_ =	strace $0x80000046;
	[dreg:$0x1] =	wrdreg $0xFFFFFFFF  }
0xa7: {  	s28 =	simm.s32 $_size_execute0_lowered;
	s3 =	sadd.s32 s3, s5;
	[dreg:$0x0] =	wrdreg $0x0  }
0xa8: {  	s5 =	sshll.u32 s28, $0x1;
	[dreg:$0x2] =	wrdreg s3  }
0xa9: {  	[dreg:$0x3] =	wrdreg s5  }
0xaa: {  	[dreg:$0x4] =	wrdreg $0xC0  }
0xab: {  	_ =	task [dreg:s7], $0x5FFFF  }
0xac: {  	[dreg:$0x1] =	wrdreg $0xFFFFFFFF  }
0xad: {  	[dreg:$0x0] =	wrdreg $0x60  }
0xae: {  	[dreg:$0x2] =	wrdreg s24  }
0xaf: {  	[dreg:$0x3] =	wrdreg s2  }
0xb0: {  	[dreg:$0x4] =	wrdreg $0x1B1900  }
0xb1: {  	[dreg:$0x5] =	wrdreg $0x9  }
0xb2: {  	_ =	task.clear_ibuf [dreg:s7], $0x6FFFF;
	_ =	strace $0x90000046  }
0xb3: {  	s29 =	simm.s32 $0x9;
	_ =	strace $0x80000048  }
0xb4: {  	_ =	swait.ge [sflag:s29], $0x1  }
0xb5: {  	[sflag:s29] =	ssyncadd.s32 $0xFFFFFFFF  }
0xb6: {  	_ =	strace $0x90000048  }
0xb7: {  	_ =	sfence  }
0xb8: {  	s30 =	sld [smem:$0x0];
	_ =	sdelay $0x2  }
0xb9: {  	s31 =	sshll.u32 s1, $0xD;
	s1 =	sshrl.u32 s1, $0x2  }
0xba: {  	s3 =	sand.u32 $0x4000, s31;
	s1 =	sadd.s32 s1, s30  }
0xbb: {  	s0 =	sor.u32 s3, s0;
	s1 =	sshll.u32 s1, $0x11  }
0xbc: {  	s0 =	sor.u32 s1, s0  }
0xbd: {  	s0 =	sadd.s32 $0x8F2B, s0  }
0xbe: {  	[sflag:s0] =	ssyncadd.remote.s32 $0x1  }
0xbf: {  	_ =	sfence.sel $0xFFFF  }
0xc0: {  	[dreg:$0x0] =	wrdreg $0xFFFFFFFF;
	(pc) =	sbr.abs _section_cstart, $3  }
0xc1: {  	[dreg:$0x1] =	wrdreg $0xFFFFFFFF  }
0xc2: {  	_ =	task.clear_ibuf [dreg:s7], $0x2FFFF;
	_ =	strace $0x9FFFFFFF  }
0xc3: {  	(tm) =	ssettm $0x7FFFFFFF  }
tec
execute0_lowered:
.L_overlay_start_1:
0x0: {  	(tag) =	ssettag $0x1  }
0x1: {  	s0 =	rddreg [dreg:$0x0]  }
0x2: {  	s2 =	rddreg [dreg:$0x2]  }
0x3: {  	s3 =	simm.s32 $0x0;
	s1 =	srdreg.scid;
	s17 =	stileid.u32;
	v0 =	vimm.s32 $0x76543210  }
0x4: {  	v1 =	vimm.s32 $0xFEDCBA98;
	v2 =	vimm.s32 $0x3210FEDC;
	s21 =	simm.s32 $0x1B000;
	s22 =	simm.s32 $0x1B080;
	s23 =	simm.s32 $0x4  }
0x5: {  	v3 =	vimm.s32 $0xBA987654;
	v4 =	vimm.s32 $0x10FEDCBA;
	v5 =	vimm.s32 $0x98765432;
	s24 =	simm.s32 $0x3;
	s25 =	simm.s32 $0x1;
	s26 =	simm.s32 $0x2  }
0x6: {  	v6 =	vimm.s32 $0xFEDCBA9;
	v7 =	vimm.s32 $0x87654321;
	s28 =	simm.s32 $0x1B090;
	s29 =	simm.s32 $0x1B110;
	s30 =	simm.s32 $0x0  }
0x7: {  	[smem:$0x7FF] =	sst s3;
	s4 =	sadd.s32 $0x22400, s0;
	s1 =	sand.u32 $0x1, s1;
	v0 =	vunpack.c.l.s4.s8 v0;
	v1 =	vunpack.c.l.s4.s8 v1;
	v2 =	vunpack.c.l.s4.s8 v2  }
0x8: {  	s5 =	sadd.s32 $0x1400, s0;
	s7 =	sshll.u32 s17, $0x8;
	s6 =	sadd.s32 $0x11400, s0;
	v3 =	vunpack.c.l.s4.s8 v3;
	v4 =	vunpack.c.l.s4.s8 v4;
	v5 =	vunpack.c.l.s4.s8 v5  }
0x9: {  	v6 =	vunpack.c.l.s4.s8 v6;
	v7 =	vunpack.c.l.s4.s8 v7;
	p0 =	sne.s32 s17, $0x0;
	s8 =	sshll.u32 s1, $0x7;
	s1 =	ssub.s32 $0x2, s1;
	v2 =	vunpack.c.0.s8.s32 v2  }
0xa: {  	_ =	strace $0x80000047;
	s7 =	sor.u32 s8, s7;
	s9 =	sshrl.u32 s1, $0x1;
	v3 =	vunpack.c.0.s8.s32 v3;
	v4 =	vunpack.c.0.s8.s32 v4;
	v5 =	vunpack.c.0.s8.s32 v5  }
0xb: {  	v1 =	vunpack.c.0.s8.s32 v1;
	v6 =	vunpack.c.0.s8.s32 v6;
	v7 =	vunpack.c.0.s8.s32 v7;
	s8 =	sshrl.u32 s7, $0x3;
	s13 =	sshll.u32 s7, $0x4;
	s1 =	ssub.s32 s1, s9  }
0xc: {  	s0 =	sadd.s32 s8, s0;
	s10 =	sor.u32 $0x100, s13;
	s7 =	sadd.s32 s5, s13;
	v3 =	vcombine.low v3, v2;
	v2 =	vunpack.c.0.s8.s32 v0;
	v4 =	vcombine.low v5, v4  }
0xd: {  	s8 =	sadd.s32 s6, s13;
	s12 =	sor.u32 $0x200, s13;
	s13 =	sor.u32 $0x300, s13;
	v0 =	vimm.s32 $0x0;
	v5 =	vand.u32 $0xF, v1;
	v6 =	vcombine.low v7, v6  }
0xe: {  	s16 =	smax.u32 s1, $0x1;
	v1 =	vimm.s32 $0x1;
	s9 =	sadd.s32 s5, s10;
	s10 =	sadd.s32 s6, s10;
	v2 =	vcombine.low v5, v2;
	v3 =	vand.u32 $0xF, v3  }
0xf: {  	s11 =	sadd.s32 $0x21400, s0;
	s14 =	sadd.s32 $0x25600, s0;
	s15 =	sadd.s32 $0x25800, s0;
	v4 =	vand.u32 $0xF, v4;
	v5 =	vand.u32 $0xF, v6;
	v6 =	vlaneseq.u32  }
.LBB2_1:
0x10: {  	s0 =	simm.s32 $0x19000  }
0x11: {  	[tilespmem:s0], [sflag:$0x1] =	stream.linear.gather [hbm4b:s7+s3], $0x800, $0x38;
	[tilespmem:$0x1CA90] =	vst v63  }
0x12: {  	s17 =	simm.s32 $0x19800  }
0x13: {  	[tilespmem:s17], [sflag:$0x1] =	stream.linear.gather [hbm4b:s8+s3], $0x800, $0x38;
	[tilespmem:$0x1CA90] =	vst v63  }
0x14: {  	s18 =	simm.s32 $0x1A000  }
0x15: {  	[tilespmem:s18], [sflag:$0x2] =	stream.linear.gather [hbm4b:s9+s3], $0x800, $0x38;
	[tilespmem:$0x1CA90] =	vst v63  }
0x16: {  	s19 =	simm.s32 $0x1A800  }
0x17: {  	[tilespmem:s19], [sflag:$0x2] =	stream.linear.gather [hbm4b:s10+s3], $0x800, $0x38;
	[tilespmem:$0x1CA90] =	vst v63  }
0x18: {  	_ = 	snop  }
0x19: {  	[tilespmem:s21], [sflag:$0x3] =	stream.linear.gather [hbm4b:s11+s3], $0x80, $0x38;
	[tilespmem:$0x1CA90] =	vst v63  }
0x1a: {  	s20 =	rddreg [dreg:$0x1];
	s1 =	simm.s32 @!p0 $0x1C04;
	s0 =	sshrl.u32 @!p0 s2, $0x3  }
0x1b: {  	[tilespmem:s22], [sflag:$0x3] =	stream.linear.gather [hbm4b:s20+s3], $0x10, $0x38;
	[tilespmem:$0x1CA90] =	vst v63  }
0x1c: {  	[spmem:s0], [sflag:s1] =	dma.local @!p0 [hbm:s4], $0x3200  }
0x1d: {  	s0 =	simm.s32 @!p0 $0x4  }
0x1e: {  	_ =	swait.ge @!p0 [sflag:s0], $0x3200  }
0x1f: {  	[sflag:s0] =	ssyncset.done @!p0 $0x0  }
0x20: {  	[sflag:s0] =	ssyncadd.s32 @!p0 $0xFFFFCE00  }
0x21: {  	[bflag:$0x0] =	sbarrier.arrive $0xFFFF  }
0x22: {  	[tilespmem:s3], [sflag:$0x4] =	stream.linear.gather [spmem:s2], $0x19000, $0x38;
	[tilespmem:$0x1CA90] =	vst v63  }
0x23: {  	_ =	swait.ge [sflag:s23], $0x19000  }
0x24: {  	[sflag:s23] =	ssyncset.done $0x0  }
0x25: {  	[sflag:s23] =	ssyncadd.s32 $0xFFFE7000  }
0x26: {  	_ =	swait.ge [sflag:s24], $0x80  }
0x27: {  	[sflag:s24] =	ssyncset.done $0x0  }
0x28: {  	[sflag:s24] =	ssyncadd.s32 $0xFFFFFF80  }
0x29: {  	_ =	swait.ge [sflag:s24], $0x10  }
0x2a: {  	[sflag:s24] =	ssyncset.done $0x0  }
0x2b: {  	[sflag:s24] =	ssyncadd.s32 $0xFFFFFFF0  }
0x2c: {  	v8 =	vld [tilespmem:$0x1B080];
	_ =	sdelay $0x4  }
0x2d: {  	s31 =	simm.s32 $0x0;
	v7 =	vperm.xlane v8, v0;
	v8 =	vperm.xlane v8, v1  }
.LBB2_2:
0x2e: {  	_ =	swait.ge [sflag:s25], $0x800  }
0x2f: {  	[sflag:s25] =	ssyncset.done $0x0  }
0x30: {  	[sflag:s25] =	ssyncadd.s32 $0xFFFFF800  }
0x31: {  	_ =	swait.ge [sflag:s25], $0x800  }
0x32: {  	[sflag:s25] =	ssyncset.done $0x0  }
0x33: {  	s0 =	simm.s32 $0x19000;
	[sflag:s25] =	ssyncadd.s32 $0xFFFFF800  }
0x34: {  	v9 =	vld [tilespmem:s0+$0x890]  }
0x35: {  	v10 =	vld [tilespmem:s0+$0x8A0]  }
0x36: {  	v11 =	vld [tilespmem:s0+$0x8B0]  }
0x37: {  	v12 =	vld [tilespmem:s0+$0x810]  }
0x38: {  	v13 =	vld [tilespmem:s0+$0xD0]  }
0x39: {  	v14 =	vld [tilespmem:s0+$0xE0]  }
0x3a: {  	v15 =	vld [tilespmem:s0+$0xF0]  }
0x3b: {  	v16 =	vld [tilespmem:s0+$0x50]  }
0x3c: {  	v27 =	vld [tilespmem:s0+$0x60]  }
0x3d: {  	v18 =	vld [tilespmem:s0+$0xA0]  }
0x3e: {  	v20 =	vld [tilespmem:s0+$0xB0]  }
0x3f: {  	v22 =	vld [tilespmem:s0+$0x10]  }
0x40: {  	v24 =	vld [tilespmem:s0+$0x20]  }
0x41: {  	v26 =	vld [tilespmem:s0+$0x30]  }
0x42: {  	v29 =	vld [tilespmem:s0+$0x80]  }
0x43: {  	v31 =	vld [tilespmem:s0+$0x0]  }
0x44: {  	v41 =	vld [tilespmem:s0+$0x70]  }
0x45: {  	v17 =	vld.idx.msk [tilespmem:v9+s3+$0x0], $0xffff  }
0x46: {  	v9 =	vld [tilespmem:s0+$0x90]  }
0x47: {  	v10 =	vld.idx.msk [tilespmem:v10+s3+$0x0], $0xffff  }
0x48: {  	v19 =	vld.idx.msk [tilespmem:v11+s3+$0x0], $0xffff  }
0x49: {  	v21 =	vld.idx.msk [tilespmem:v12+s3+$0x0], $0xffff  }
0x4a: {  	v23 =	vld.idx.msk [tilespmem:v13+s3+$0x0], $0xffff  }
0x4b: {  	v25 =	vld.idx.msk [tilespmem:v14+s3+$0x0], $0xffff  }
0x4c: {  	v28 =	vld.idx.msk [tilespmem:v15+s3+$0x0], $0xffff  }
0x4d: {  	v30 =	vld.idx.msk [tilespmem:v16+s3+$0x0], $0xffff  }
0x4e: {  	v33 =	vld.idx.msk [tilespmem:v18+s3+$0x0], $0xffff  }
0x4f: {  	v34 =	vld.idx.msk [tilespmem:v20+s3+$0x0], $0xffff  }
0x50: {  	v35 =	vld.idx.msk [tilespmem:v24+s3+$0x0], $0xffff;
	v11 =	vunpack.i.u.bf16.f32 v17;
	v14 =	vunpack.i.l.bf16.f32 v17;
	v12 =	vunpack.i.u.bf16.f32 v10  }
0x51: {  	v37 =	vld.idx.msk [tilespmem:v26+s3+$0x0], $0xffff;
	v16 =	vunpack.i.l.bf16.f32 v10;
	v13 =	vunpack.i.u.bf16.f32 v19;
	v17 =	vunpack.i.l.bf16.f32 v19  }
0x52: {  	v29 =	vld.idx.msk [tilespmem:v29+s3+$0x0], $0xffff;
	v15 =	vunpack.i.u.bf16.f32 v21;
	v18 =	vunpack.i.l.bf16.f32 v21;
	v19 =	vunpack.i.u.bf16.f32 v23  }
0x53: {  	v10 =	vld.idx.msk [tilespmem:v22+s3+$0x0], $0xffff;
	v22 =	vunpack.i.l.bf16.f32 v23;
	v20 =	vunpack.i.u.bf16.f32 v25;
	v23 =	vunpack.i.l.bf16.f32 v25  }
0x54: {  	v21 =	vunpack.i.u.bf16.f32 v28;
	v25 =	vunpack.i.l.bf16.f32 v28;
	v24 =	vunpack.i.u.bf16.f32 v30;
	v32 =	vld.idx.msk [tilespmem:v9+s3+$0x0], $0xffff  }
0x55: {  	v44 =	vld [tilespmem:s0+$0xC0];
	v26 =	vunpack.i.l.bf16.f32 v30;
	v62 =	vunpack.i.u.bf16.f32 v33;
	v33 =	vunpack.i.l.bf16.f32 v33  }
0x56: {  	v43 =	vld.idx.msk [tilespmem:v31+s3+$0x0], $0xffff;
	v38 =	vunpack.i.u.bf16.f32 v34;
	v42 =	vunpack.i.l.bf16.f32 v34;
	v31 =	vunpack.i.u.bf16.f32 v35  }
0x57: {  	v48 =	vunpack.i.l.bf16.f32 v35;
	v50 =	vunpack.i.u.bf16.f32 v37;
	v63 =	vunpack.i.l.bf16.f32 v37  }
0x58: {  	v28 =	vld [tilespmem:s0+$0x40];
	v47 =	vunpack.i.u.bf16.f32 v29;
	v49 =	vunpack.i.l.bf16.f32 v29;
	v34 =	vadd.f32 $0.0e+00, v33  }
0x59: {  	v45 =	vld.idx.msk [tilespmem:v27+s3+$0x0], $0xffff;
	v35 =	vadd.f32 $0.0e+00, v62;
	v37 =	vadd.f32 $0.0e+00, v38;
	v30 =	vunpack.i.l.bf16.f32 v32  }
0x5a: {  	v46 =	vunpack.i.u.bf16.f32 v10;
	v10 =	vunpack.i.l.bf16.f32 v10;
	v39 =	vadd.f32 $0.0e+00, v30;
	v30 =	vld [tilespmem:s0+$0x820]  }
0x5b: {  	v27 =	vld [tilespmem:s0+$0x830];
	v31 =	vadd.f32 $0.0e+00, v31;
	v9 =	vimm.f32 $0.0e+00;
	v38 =	vadd.f32 $0.0e+00, v10  }
0x5c: {  	v33 =	vadd.f32 $0.0e+00, v46;
	v46 =	vld.idx.msk [tilespmem:v41+s3+$0x0], $0xffff;
	v41 =	vadd.f32 $0.0e+00, v63;
	v36 =	vunpack.i.u.bf16.f32 v32  }
0x5d: {  	v44 =	vld.idx.msk [tilespmem:v44+s3+$0x0], $0xffff;
	v10 =	vimm.f32 $0.0e+00;
	v32 =	vadd.f32 $0.0e+00, v48;
	v40 =	vadd.f32 $0.0e+00, v36  }
0x5e: {  	s17 =	simm.s32 $0x0;
	s1 =	simm.s32 $0x2;
	v29 =	vld [tilespmem:s0+$0x880];
	v48 =	vunpack.i.u.bf16.f32 v43;
	v36 =	vadd.f32 $0.0e+00, v42;
	v42 =	vadd.f32 $0.0e+00, v50  }
.LBB2_3:
0x5f: {  	p1 =	sne.s32 s1, $0xE;
	v43 =	vunpack.i.l.bf16.f32 v43;
	v50 =	vld [tilespmem:s0+$0x800];
	v49 =	vadd.f32 $0.0e+00, v49;
	v47 =	vadd.f32 $0.0e+00, v47  }
0x60: {  	v48 =	vadd.f32 $0.0e+00, v48;
	v51 =	vunpack.i.u.bf16.f32 v45;
	v43 =	vadd.f32 $0.0e+00, v43;
	v28 =	vld.idx.msk [tilespmem:v28+s3+$0x0], $0xffff  }
0x61: {  	v45 =	vunpack.i.l.bf16.f32 v45;
	v22 =	vadd.f32 v22, v39;
	v19 =	vadd.f32 v19, v40;
	v39 =	vld [tilespmem:s0+$0x8C0]  }
0x62: {  	v23 =	vadd.f32 v23, v34;
	v20 =	vadd.f32 v20, v35;
	v40 =	vunpack.i.u.bf16.f32 v46;
	v30 =	vld.idx.msk [tilespmem:v30+s3+$0x0], $0xffff  }
0x63: {  	v25 =	vadd.f32 v25, v36;
	v21 =	vadd.f32 v21, v37;
	v34 =	vunpack.i.l.bf16.f32 v46;
	v35 =	vld [tilespmem:s0+$0x840]  }
0x64: {  	v26 =	vadd.f32 v26, v38;
	v24 =	vadd.f32 v24, v33;
	v33 =	vunpack.i.u.bf16.f32 v44;
	s0 =	sadd.s32 $0x100, s0;
	v27 =	vld.idx.msk [tilespmem:v27+s3+$0x0], $0xffff  }
0x65: {  	v32 =	vadd.f32 v45, v32;
	v31 =	vadd.f32 v51, v31;
	v37 =	vunpack.i.l.bf16.f32 v44;
	v36 =	vld [tilespmem:s0+$0x890]  }
0x66: {  	v34 =	vadd.f32 v34, v41;
	v40 =	vadd.f32 v40, v42;
	v38 =	vunpack.i.u.bf16.f32 v28;
	v29 =	vld.idx.msk [tilespmem:v29+s3+$0x0], $0xffff  }
0x67: {  	v37 =	vadd.f32 v37, v49;
	v33 =	vadd.f32 v33, v47;
	v28 =	vunpack.i.l.bf16.f32 v28;
	v41 =	vld [tilespmem:s0+$0x8A0]  }
0x68: {  	v28 =	vadd.f32 v28, v43;
	v38 =	vadd.f32 v38, v48;
	v43 =	vunpack.i.u.bf16.f32 v30;
	v42 =	vld.idx.msk [tilespmem:v50+s3+$0x0], $0xffff  }
0x69: {  	v14 =	vadd.f32 v14, v22;
	v11 =	vadd.f32 v11, v19;
	v30 =	vunpack.i.l.bf16.f32 v30;
	v44 =	vld [tilespmem:s0+$0x8B0]  }
0x6a: {  	v16 =	vadd.f32 v16, v23;
	v12 =	vadd.f32 v12, v20;
	v19 =	vunpack.i.u.bf16.f32 v27;
	v20 =	vld.idx.msk [tilespmem:v39+s3+$0x0], $0xffff  }
0x6b: {  	v17 =	vadd.f32 v17, v25;
	v13 =	vadd.f32 v13, v21;
	v22 =	vunpack.i.l.bf16.f32 v27;
	v23 =	vld.idx.msk [tilespmem:v35+s3+$0x0], $0xffff  }
0x6c: {  	v18 =	vadd.f32 v18, v26;
	v15 =	vadd.f32 v15, v24;
	v24 =	vunpack.i.u.bf16.f32 v29;
	v21 =	vld [tilespmem:s0+$0x810]  }
0x6d: {  	v26 =	vadd.f32 v30, v32;
	v30 =	vadd.f32 v43, v31;
	v27 =	vunpack.i.l.bf16.f32 v29;
	v25 =	vld [tilespmem:s0+$0xD0]  }
0x6e: {  	v22 =	vadd.f32 v22, v34;
	v19 =	vadd.f32 v19, v40;
	v31 =	vunpack.i.u.bf16.f32 v42;
	v29 =	vld [tilespmem:s0+$0xE0]  }
0x6f: {  	v35 =	vadd.f32 v27, v37;
	v24 =	vadd.f32 v24, v33;
	v34 =	vunpack.i.l.bf16.f32 v42;
	v32 =	vld [tilespmem:s0+$0xF0]  }
0x70: {  	v28 =	vadd.f32 v34, v28;
	v31 =	vadd.f32 v31, v38;
	v34 =	vunpack.i.u.bf16.f32 v20;
	v33 =	vld [tilespmem:s0+$0x50]  }
0x71: {  	v16 =	vadd.f32 v17, v16;
	v12 =	vadd.f32 v13, v12;
	v37 =	vunpack.i.u.bf16.f32 v23;
	v27 =	vld [tilespmem:s0+$0x60]  }
0x72: {  	v22 =	vadd.f32 v22, v26;
	v19 =	vadd.f32 v19, v30;
	v17 =	vunpack.i.l.bf16.f32 v23;
	v13 =	vld.idx.msk [tilespmem:v36+s3+$0x0], $0xffff  }
0x73: {  	v20 =	vunpack.i.l.bf16.f32 v20;
	v17 =	vadd.f32 v17, v28;
	v26 =	vadd.f32 v37, v31;
	v23 =	vld [tilespmem:s0+$0x90]  }
0x74: {  	v30 =	vmov s17;
	v20 =	vadd.f32 v20, v35;
	v24 =	vadd.f32 v34, v24;
	v28 =	vld.idx.msk [tilespmem:v41+s3+$0x0], $0xffff  }
0x75: {  	s18 =	sadd.s32 $0x1, s17;
	s17 =	smov.u32 s1;
	vm0 =	veq.s32 v30, v6;
	v17 =	vadd.f32 v17, v18;
	v15 =	vadd.f32 v26, v15;
	v31 =	vld [tilespmem:s0+$0xA0]  }
0x76: {  	v14 =	vadd.f32 v20, v14;
	v20 =	vadd.f32 v24, v11;
	v11 =	vmov s18;
	v18 =	vld.idx.msk [tilespmem:v44+s3+$0x0], $0xffff  }
0x77: {  	vm1 =	veq.s32 v11, v6;
	v17 =	vadd.f32 v17, v22;
	v15 =	vadd.f32 v15, v19;
	v24 =	vld [tilespmem:s0+$0xB0]  }
0x78: {  	v20 =	vadd.f32 v20, v12;
	v11 =	vunpack.i.u.bf16.f32 v13;
	v19 =	vld.idx.msk [tilespmem:v21+s3+$0x0], $0xffff;
	v21 =	vadd.f32 v14, v16  }
0x79: {  	v22 =	vperm.xlane v15, v2;
	v14 =	vunpack.i.l.bf16.f32 v13;
	v13 =	vperm.xlane v17, v2;
	v26 =	vld [tilespmem:s0+$0x10]  }
0x7a: {  	v34 =	vperm.xlane v20, v2;
	v12 =	vunpack.i.u.bf16.f32 v28;
	v25 =	vld.idx.msk [tilespmem:v25+s3+$0x0], $0xffff;
	v30 =	vperm.xlane v21, v2  }
0x7b: {  	v16 =	vunpack.i.l.bf16.f32 v28;
	v22 =	vadd.f32 v22, v15;
	v28 =	vadd.f32 v17, v13;
	v35 =	vld [tilespmem:s0+$0x20]  }
0x7c: {  	v20 =	vadd.f32 v34, v20;
	v13 =	vunpack.i.u.bf16.f32 v18;
	v29 =	vld.idx.msk [tilespmem:v29+s3+$0x0], $0xffff;
	v21 =	vadd.f32 v21, v30  }
0x7d: {  	v17 =	vunpack.i.l.bf16.f32 v18;
	v36 =	vperm.xlane v22, v3;
	v34 =	vperm.xlane v28, v3;
	v30 =	vld [tilespmem:s0+$0x30]  }
0x7e: {  	v38 =	vperm.xlane v20, v3;
	v15 =	vunpack.i.u.bf16.f32 v19;
	v32 =	vld.idx.msk [tilespmem:v32+s3+$0x0], $0xffff;
	v37 =	vperm.xlane v21, v3  }
0x7f: {  	v18 =	vunpack.i.l.bf16.f32 v19;
	v28 =	vadd.f32 v28, v34;
	v34 =	vadd.f32 v36, v22;
	v39 =	vld [tilespmem:s0+$0x80]  }
0x80: {  	v19 =	vunpack.i.u.bf16.f32 v25;
	v33 =	vld.idx.msk [tilespmem:v33+s3+$0x0], $0xffff;
	v36 =	vadd.f32 v21, v37;
	v37 =	vadd.f32 v38, v20  }
0x81: {  	v22 =	vunpack.i.l.bf16.f32 v25;
	v21 =	vperm.xlane v28, v4;
	v25 =	vperm.xlane v34, v4;
	v38 =	vld [tilespmem:s0+$0x0]  }
0x82: {  	v20 =	vunpack.i.u.bf16.f32 v29;
	v40 =	vld.idx.msk [tilespmem:v23+s3+$0x0], $0xffff;
	v41 =	vperm.xlane v36, v4;
	v42 =	vperm.xlane v37, v4  }
0x83: {  	v23 =	vunpack.i.l.bf16.f32 v29;
	v28 =	vadd.f32 v28, v21;
	v29 =	vadd.f32 v25, v34;
	v31 =	vld.idx.msk [tilespmem:v31+s3+$0x0], $0xffff  }
0x84: {  	v21 =	vunpack.i.u.bf16.f32 v32;
	v34 =	vld.idx.msk [tilespmem:v24+s3+$0x0], $0xffff;
	v36 =	vadd.f32 v36, v41;
	v37 =	vadd.f32 v42, v37  }
0x85: {  	v25 =	vunpack.i.l.bf16.f32 v32;
	v32 =	vperm.xlane v28, v5;
	v42 =	vperm.xlane v29, v5;
	v41 =	vld.idx.msk [tilespmem:v26+s3+$0x0], $0xffff  }
0x86: {  	v24 =	vunpack.i.u.bf16.f32 v33;
	v35 =	vld.idx.msk [tilespmem:v35+s3+$0x0], $0xffff;
	v43 =	vperm.xlane v36, v5;
	v44 =	vperm.xlane v37, v5  }
0x87: {  	v26 =	vunpack.i.l.bf16.f32 v33;
	v28 =	vadd.f32 v28, v32;
	v29 =	vadd.f32 v42, v29;
	v46 =	vld [tilespmem:s0+$0x70]  }
0x88: {  	v33 =	vunpack.i.u.bf16.f32 v40;
	v32 =	vld.idx.msk [tilespmem:v30+s3+$0x0], $0xffff;
	v30 =	vadd.f32 v36, v43;
	v36 =	vadd.f32 v44, v37  }
0x89: {  	v37 =	vunpack.i.l.bf16.f32 v40;
	v9 =	vsel vm0, v28, v9;
	v10 =	vsel vm0, v29, v10;
	v44 =	vld [tilespmem:s0+$0xC0]  }
0x8a: {  	v42 =	vunpack.i.u.bf16.f32 v31;
	v29 =	vld.idx.msk [tilespmem:v39+s3+$0x0], $0xffff;
	v9 =	vsel vm1, v30, v9;
	v10 =	vsel vm1, v36, v10  }
0x8b: {  	v31 =	vunpack.i.l.bf16.f32 v31;
	v47 =	vunpack.i.u.bf16.f32 v34;
	v36 =	vunpack.i.l.bf16.f32 v34;
	v28 =	vld [tilespmem:s0+$0x40]  }
0x8c: {  	v48 =	vunpack.i.u.bf16.f32 v41;
	v43 =	vld.idx.msk [tilespmem:v38+s3+$0x0], $0xffff;
	v38 =	vunpack.i.l.bf16.f32 v41;
	v41 =	vunpack.i.u.bf16.f32 v35  }
0x8d: {  	v40 =	vadd.f32 $0.0e+00, v33;
	v39 =	vadd.f32 $0.0e+00, v37;
	v49 =	vunpack.i.l.bf16.f32 v35;
	v30 =	vld [tilespmem:s0+$0x820]  }
.Ltmp0:
0x8e: {  	v34 =	vadd.f32 $0.0e+00, v31;
	v35 =	vadd.f32 $0.0e+00, v42;
	v50 =	vunpack.i.u.bf16.f32 v32;
	v45 =	vld.idx.msk [tilespmem:v27+s3+$0x0], $0xffff;
	(pc) =	sbr.rel @p1 .LBB2_3-.Ltmp0, $4  }
0x8f: {  	v37 =	vadd.f32 $0.0e+00, v47;
	v36 =	vadd.f32 $0.0e+00, v36;
	v42 =	vunpack.i.l.bf16.f32 v32;
	v27 =	vld [tilespmem:s0+$0x830]  }
0x90: {  	v33 =	vadd.f32 $0.0e+00, v48;
	v38 =	vadd.f32 $0.0e+00, v38;
	v47 =	vunpack.i.u.bf16.f32 v29;
	v46 =	vld.idx.msk [tilespmem:v46+s3+$0x0], $0xffff  }
0x91: {  	v32 =	vadd.f32 $0.0e+00, v49;
	v31 =	vadd.f32 $0.0e+00, v41;
	v49 =	vunpack.i.l.bf16.f32 v29;
	v29 =	vld [tilespmem:s0+$0x880]  }
0x92: {  	s1 =	sadd.s32 $0x2, s1;
	v41 =	vadd.f32 $0.0e+00, v42;
	v42 =	vadd.f32 $0.0e+00, v50;
	v48 =	vunpack.i.u.bf16.f32 v43;
	v44 =	vld.idx.msk [tilespmem:v44+s3+$0x0], $0xffff  }
0x93: {  	v49 =	vadd.f32 $0.0e+00, v49  }
0x94: {  	v47 =	vadd.f32 $0.0e+00, v47;
	v48 =	vadd.f32 $0.0e+00, v48  }
0x95: {  	v22 =	vadd.f32 v22, v39;
	v19 =	vadd.f32 v19, v40  }
0x96: {  	v23 =	vadd.f32 v23, v34;
	v20 =	vadd.f32 v20, v35  }
0x97: {  	v43 =	vunpack.i.l.bf16.f32 v43;
	v25 =	vadd.f32 v25, v36;
	v21 =	vadd.f32 v21, v37  }
0x98: {  	v58 =	vunpack.i.l.bf16.f32 v45;
	v26 =	vadd.f32 v26, v38;
	v24 =	vadd.f32 v24, v33  }
0x99: {  	v50 =	vld [tilespmem:s0+$0x800];
	v51 =	vunpack.i.u.bf16.f32 v45;
	v43 =	vadd.f32 $0.0e+00, v43;
	v32 =	vadd.f32 v58, v32  }
0x9a: {  	v28 =	vld.idx.msk [tilespmem:v28+s3+$0x0], $0xffff;
	v31 =	vadd.f32 v51, v31;
	v14 =	vadd.f32 v14, v22  }
0x9b: {  	v61 =	vld [tilespmem:s0+$0x840];
	v11 =	vadd.f32 v11, v19;
	v16 =	vadd.f32 v16, v23  }
0x9c: {  	v62 =	vld [tilespmem:s0+$0x8C0];
	v12 =	vadd.f32 v12, v20;
	v17 =	vadd.f32 v17, v25  }
0x9d: {  	v30 =	vld.idx.msk [tilespmem:v30+s3+$0x0], $0xffff;
	v60 =	vunpack.i.l.bf16.f32 v46;
	v13 =	vadd.f32 v13, v21;
	v18 =	vadd.f32 v18, v26  }
0x9e: {  	v27 =	vld.idx.msk [tilespmem:v27+s3+$0x0], $0xffff;
	v59 =	vunpack.i.u.bf16.f32 v46;
	v15 =	vadd.f32 v15, v24;
	v35 =	vadd.f32 v60, v41  }
0x9f: {  	v34 =	vadd.f32 v59, v42;
	v63 =	vunpack.i.u.bf16.f32 v44;
	v45 =	vunpack.i.l.bf16.f32 v44  }
0xa0: {  	v29 =	vld.idx.msk [tilespmem:v29+s3+$0x0], $0xffff;
	v16 =	vadd.f32 v17, v16;
	v12 =	vadd.f32 v13, v12;
	v46 =	vunpack.i.l.bf16.f32 v28  }
0xa1: {  	v38 =	vadd.f32 v45, v49;
	v28 =	vunpack.i.u.bf16.f32 v28;
	v33 =	vadd.f32 v63, v47;
	v22 =	vld.idx.msk [tilespmem:v50+s3+$0x0], $0xffff  }
0xa2: {  	v28 =	vadd.f32 v28, v48;
	v48 =	vunpack.i.u.bf16.f32 v30;
	v30 =	vunpack.i.l.bf16.f32 v30  }
0xa3: {  	v39 =	vadd.f32 v46, v43;
	v20 =	vunpack.i.l.bf16.f32 v27;
	v24 =	vadd.f32 v30, v32;
	v23 =	vld.idx.msk [tilespmem:v61+s3+$0x0], $0xffff  }
0xa4: {  	v19 =	vunpack.i.u.bf16.f32 v27;
	v26 =	vadd.f32 v48, v31;
	v20 =	vadd.f32 v20, v35;
	v25 =	vld.idx.msk [tilespmem:v62+s3+$0x0], $0xffff  }
0xa5: {  	v19 =	vadd.f32 v19, v34;
	v21 =	vunpack.i.u.bf16.f32 v29;
	v27 =	vunpack.i.l.bf16.f32 v29  }
0xa6: {  	v27 =	vadd.f32 v27, v38;
	v21 =	vadd.f32 v21, v33;
	v29 =	vunpack.i.l.bf16.f32 v22  }
0xa7: {  	v17 =	vadd.f32 v20, v24;
	v22 =	vunpack.i.u.bf16.f32 v22;
	v29 =	vadd.f32 v29, v39  }
0xa8: {  	v19 =	vadd.f32 v19, v26;
	v13 =	vunpack.i.l.bf16.f32 v23;
	v22 =	vadd.f32 v22, v28  }
0xa9: {  	v20 =	vunpack.i.l.bf16.f32 v25;
	v28 =	vunpack.i.u.bf16.f32 v23;
	v13 =	vadd.f32 v13, v29  }
0xaa: {  	v23 =	vunpack.i.u.bf16.f32 v25;
	v20 =	vadd.f32 v20, v27;
	v22 =	vadd.f32 v28, v22  }
0xab: {  	v21 =	vadd.f32 v23, v21;
	v13 =	vadd.f32 v13, v18  }
0xac: {  	v14 =	vadd.f32 v20, v14;
	v15 =	vadd.f32 v22, v15  }
0xad: {  	v11 =	vadd.f32 v21, v11;
	v13 =	vadd.f32 v13, v17  }
0xae: {  	v14 =	vadd.f32 v14, v16;
	v15 =	vadd.f32 v15, v19  }
0xaf: {  	v11 =	vadd.f32 v11, v12;
	v12 =	vperm.xlane v13, v2  }
0xb0: {  	v17 =	vperm.xlane v14, v2;
	v16 =	vperm.xlane v15, v2  }
0xb1: {  	v18 =	vperm.xlane v11, v2;
	v12 =	vadd.f32 v13, v12  }
0xb2: {  	v14 =	vadd.f32 v14, v17;
	v13 =	vadd.f32 v16, v15  }
0xb3: {  	v11 =	vadd.f32 v18, v11;
	v15 =	vperm.xlane v12, v3  }
0xb4: {  	v17 =	vperm.xlane v14, v3;
	v16 =	vperm.xlane v13, v3  }
0xb5: {  	s1 =	sshll.u32 s31, $0x9;
	p1 =	seq.s32 s31, $0x3;
	v18 =	vperm.xlane v11, v3;
	v12 =	vadd.f32 v12, v15  }
0xb6: {  	s0 =	sadd.s32 @!p1 s1, s12;
	v14 =	vadd.f32 v14, v17;
	v13 =	vadd.f32 v16, v13  }
0xb7: {  	s19 =	simm.s32 @!p1 $0x0;
	s20 =	simm.s32 @!p1 $0x19000;
	s18 =	sadd.s32 @!p1 s5, s0;
	v11 =	vadd.f32 v18, v11;
	v15 =	vperm.xlane v12, v4  }
0xb8: {  	[tilespmem:s20], [sflag:$0x1] =	stream.linear.gather @!p1 [hbm4b:s18+s19], $0x800, $0x38;
	v17 =	vperm.xlane v14, v4;
	v16 =	vperm.xlane v13, v4;
	[tilespmem:$0x1CA90] =	vst v63  }
0xb9: {  	s0 =	sadd.s32 @!p1 s6, s0;
	s18 =	simm.s32 @!p1 $0x19800;
	v18 =	vperm.xlane v11, v4;
	v12 =	vadd.f32 v12, v15  }
0xba: {  	[tilespmem:s18], [sflag:$0x1] =	stream.linear.gather @!p1 [hbm4b:s0+s19], $0x800, $0x38;
	v14 =	vadd.f32 v14, v17;
	v13 =	vadd.f32 v16, v13;
	[tilespmem:$0x1CA90] =	vst v63  }
0xbb: {  	s0 =	sshll.u32 s31, $0x5;
	v11 =	vadd.f32 v18, v11;
	v15 =	vperm.xlane v12, v5  }
0xbc: {  	v19 =	vld [tilespmem:s0+$0x1B000];
	v16 =	vmov s17;
	v18 =	vperm.xlane v14, v5;
	v17 =	vperm.xlane v13, v5  }
0xbd: {  	s20 =	sadd.s32 $0x1, s17;
	vm0 =	veq.s32 v16, v6;
	v16 =	vperm.xlane v11, v5;
	v12 =	vadd.f32 v12, v15  }
0xbe: {  	v14 =	vadd.f32 v14, v18;
	v15 =	vmov s20;
	v13 =	vadd.f32 v17, v13  }
0xbf: {  	v11 =	vadd.f32 v16, v11;
	vm1 =	veq.s32 v15, v6;
	v9 =	vsel vm0, v12, v9  }
0xc0: {  	v10 =	vsel vm0, v13, v10;
	v9 =	vsel vm1, v14, v9  }
0xc1: {  	v10 =	vsel vm1, v11, v10;
	v9 =	vmul.f32 v19, v9  }
0xc2: {  	v10 =	vmul.f32 v19, v10  }
0xc3: {  	v9 =	vadd.f32 v9, v7  }
0xc4: {  	v10 =	vadd.f32 v10, v8  }
0xc5: {  	[tilespmem:s0+$0x1B090] =	vst v9  }
0xc6: {  	[tilespmem:s0+$0x1B110] =	vst v10  }
0xc7: {  	_ =	swait.ge [sflag:s26], $0x800  }
0xc8: {  	[sflag:s26] =	ssyncset.done $0x0  }
0xc9: {  	[sflag:s26] =	ssyncadd.s32 $0xFFFFF800  }
0xca: {  	_ =	swait.ge [sflag:s26], $0x800  }
0xcb: {  	[sflag:s26] =	ssyncset.done $0x0  }
0xcc: {  	s18 =	simm.s32 $0x1A000;
	[sflag:s26] =	ssyncadd.s32 $0xFFFFF800  }
0xcd: {  	v9 =	vld [tilespmem:s18+$0x890]  }
0xce: {  	v10 =	vld [tilespmem:s18+$0x8A0]  }
0xcf: {  	v11 =	vld [tilespmem:s18+$0x8B0]  }
0xd0: {  	v12 =	vld [tilespmem:s18+$0x810]  }
0xd1: {  	v13 =	vld [tilespmem:s18+$0xD0]  }
0xd2: {  	v14 =	vld [tilespmem:s18+$0xE0]  }
0xd3: {  	v15 =	vld [tilespmem:s18+$0xF0]  }
0xd4: {  	v16 =	vld [tilespmem:s18+$0x50]  }
0xd5: {  	v27 =	vld [tilespmem:s18+$0x60]  }
0xd6: {  	v18 =	vld [tilespmem:s18+$0xA0]  }
0xd7: {  	v20 =	vld [tilespmem:s18+$0xB0]  }
0xd8: {  	v22 =	vld [tilespmem:s18+$0x10]  }
0xd9: {  	v24 =	vld [tilespmem:s18+$0x20]  }
0xda: {  	v26 =	vld [tilespmem:s18+$0x30]  }
0xdb: {  	v29 =	vld [tilespmem:s18+$0x80]  }
0xdc: {  	v31 =	vld [tilespmem:s18+$0x0]  }
0xdd: {  	v53 =	vld [tilespmem:s18+$0x70]  }
0xde: {  	v56 =	vld [tilespmem:s18+$0xC0]  }
0xdf: {  	v17 =	vld.idx.msk [tilespmem:v9+s3+$0x0], $0xffff  }
0xe0: {  	v9 =	vld [tilespmem:s18+$0x90]  }
0xe1: {  	v10 =	vld.idx.msk [tilespmem:v10+s3+$0x0], $0xffff  }
0xe2: {  	v19 =	vld.idx.msk [tilespmem:v11+s3+$0x0], $0xffff  }
0xe3: {  	v21 =	vld.idx.msk [tilespmem:v12+s3+$0x0], $0xffff  }
0xe4: {  	v23 =	vld.idx.msk [tilespmem:v13+s3+$0x0], $0xffff  }
0xe5: {  	v25 =	vld.idx.msk [tilespmem:v14+s3+$0x0], $0xffff  }
0xe6: {  	v28 =	vld.idx.msk [tilespmem:v15+s3+$0x0], $0xffff  }
0xe7: {  	v30 =	vld.idx.msk [tilespmem:v16+s3+$0x0], $0xffff  }
0xe8: {  	v50 =	vld.idx.msk [tilespmem:v18+s3+$0x0], $0xffff  }
0xe9: {  	v51 =	vld.idx.msk [tilespmem:v20+s3+$0x0], $0xffff;
	v11 =	vunpack.i.u.bf16.f32 v17;
	v14 =	vunpack.i.l.bf16.f32 v17;
	v12 =	vunpack.i.u.bf16.f32 v10  }
0xea: {  	v52 =	vld.idx.msk [tilespmem:v24+s3+$0x0], $0xffff;
	v16 =	vunpack.i.l.bf16.f32 v10;
	v13 =	vunpack.i.u.bf16.f32 v19;
	v17 =	vunpack.i.l.bf16.f32 v19  }
0xeb: {  	v54 =	vld.idx.msk [tilespmem:v26+s3+$0x0], $0xffff;
	v15 =	vunpack.i.u.bf16.f32 v21;
	v18 =	vunpack.i.l.bf16.f32 v21;
	v19 =	vunpack.i.u.bf16.f32 v23  }
0xec: {  	v10 =	vld.idx.msk [tilespmem:v22+s3+$0x0], $0xffff;
	v22 =	vunpack.i.l.bf16.f32 v23;
	v20 =	vunpack.i.u.bf16.f32 v25;
	v23 =	vunpack.i.l.bf16.f32 v25  }
0xed: {  	v21 =	vunpack.i.u.bf16.f32 v28;
	v25 =	vunpack.i.l.bf16.f32 v28;
	v24 =	vunpack.i.u.bf16.f32 v30;
	v49 =	vld.idx.msk [tilespmem:v9+s3+$0x0], $0xffff  }
0xee: {  	v29 =	vld.idx.msk [tilespmem:v29+s3+$0x0], $0xffff;
	v26 =	vunpack.i.l.bf16.f32 v30;
	v57 =	vunpack.i.u.bf16.f32 v50;
	v33 =	vunpack.i.l.bf16.f32 v50  }
0xef: {  	v43 =	vld.idx.msk [tilespmem:v31+s3+$0x0], $0xffff;
	v58 =	vunpack.i.u.bf16.f32 v51;
	v59 =	vunpack.i.l.bf16.f32 v51;
	v31 =	vunpack.i.u.bf16.f32 v52  }
0xf0: {  	v61 =	vunpack.i.l.bf16.f32 v52;
	v62 =	vunpack.i.u.bf16.f32 v54;
	v34 =	vadd.f32 $0.0e+00, v33  }
0xf1: {  	v28 =	vld [tilespmem:s18+$0x40];
	v63 =	vunpack.i.l.bf16.f32 v54;
	v35 =	vadd.f32 $0.0e+00, v57;
	v36 =	vadd.f32 $0.0e+00, v59  }
0xf2: {  	v45 =	vld.idx.msk [tilespmem:v27+s3+$0x0], $0xffff;
	v37 =	vadd.f32 $0.0e+00, v58;
	v32 =	vadd.f32 $0.0e+00, v61;
	v30 =	vunpack.i.l.bf16.f32 v49  }
0xf3: {  	v47 =	vunpack.i.u.bf16.f32 v29;
	v31 =	vadd.f32 $0.0e+00, v31;
	v39 =	vadd.f32 $0.0e+00, v30;
	v30 =	vld [tilespmem:s18+$0x820]  }
0xf4: {  	v27 =	vld [tilespmem:s18+$0x830];
	v48 =	vunpack.i.u.bf16.f32 v43;
	v41 =	vadd.f32 $0.0e+00, v63;
	v42 =	vadd.f32 $0.0e+00, v62  }
0xf5: {  	v46 =	vld.idx.msk [tilespmem:v53+s3+$0x0], $0xffff;
	v9 =	vimm.f32 $0.0e+00;
	v60 =	vunpack.i.u.bf16.f32 v10;
	v10 =	vunpack.i.l.bf16.f32 v10  }
0xf6: {  	v44 =	vld.idx.msk [tilespmem:v56+s3+$0x0], $0xffff;
	v38 =	vadd.f32 $0.0e+00, v10;
	v33 =	vadd.f32 $0.0e+00, v60;
	v55 =	vunpack.i.u.bf16.f32 v49  }
0xf7: {  	s19 =	simm.s32 $0x2;
	s17 =	simm.s32 $0x0;
	v10 =	vimm.f32 $0.0e+00;
	v49 =	vunpack.i.l.bf16.f32 v29;
	v29 =	vld [tilespmem:s18+$0x880];
	v40 =	vadd.f32 $0.0e+00, v55  }
.LBB2_5:
0xf8: {  	p2 =	sne.s32 s19, $0xE;
	v43 =	vunpack.i.l.bf16.f32 v43;
	v50 =	vld [tilespmem:s18+$0x800];
	v49 =	vadd.f32 $0.0e+00, v49;
	v47 =	vadd.f32 $0.0e+00, v47  }
0xf9: {  	v48 =	vadd.f32 $0.0e+00, v48;
	v51 =	vunpack.i.u.bf16.f32 v45;
	v43 =	vadd.f32 $0.0e+00, v43;
	v28 =	vld.idx.msk [tilespmem:v28+s3+$0x0], $0xffff  }
0xfa: {  	v45 =	vunpack.i.l.bf16.f32 v45;
	v22 =	vadd.f32 v22, v39;
	v19 =	vadd.f32 v19, v40;
	v39 =	vld [tilespmem:s18+$0x8C0]  }
0xfb: {  	v23 =	vadd.f32 v23, v34;
	v20 =	vadd.f32 v20, v35;
	v40 =	vunpack.i.u.bf16.f32 v46;
	v30 =	vld.idx.msk [tilespmem:v30+s3+$0x0], $0xffff  }
0xfc: {  	v25 =	vadd.f32 v25, v36;
	v21 =	vadd.f32 v21, v37;
	v34 =	vunpack.i.l.bf16.f32 v46;
	v35 =	vld [tilespmem:s18+$0x840]  }
0xfd: {  	v26 =	vadd.f32 v26, v38;
	v24 =	vadd.f32 v24, v33;
	v33 =	vunpack.i.u.bf16.f32 v44;
	s18 =	sadd.s32 $0x100, s18;
	v27 =	vld.idx.msk [tilespmem:v27+s3+$0x0], $0xffff  }
0xfe: {  	v32 =	vadd.f32 v45, v32;
	v31 =	vadd.f32 v51, v31;
	v37 =	vunpack.i.l.bf16.f32 v44;
	v36 =	vld [tilespmem:s18+$0x890]  }
0xff: {  	v34 =	vadd.f32 v34, v41;
	v40 =	vadd.f32 v40, v42;
	v38 =	vunpack.i.u.bf16.f32 v28;
	v29 =	vld.idx.msk [tilespmem:v29+s3+$0x0], $0xffff  }
0x100: {  	v37 =	vadd.f32 v37, v49;
	v33 =	vadd.f32 v33, v47;
	v28 =	vunpack.i.l.bf16.f32 v28;
	v41 =	vld [tilespmem:s18+$0x8A0]  }
0x101: {  	v28 =	vadd.f32 v28, v43;
	v38 =	vadd.f32 v38, v48;
	v43 =	vunpack.i.u.bf16.f32 v30;
	v42 =	vld.idx.msk [tilespmem:v50+s3+$0x0], $0xffff  }
0x102: {  	v14 =	vadd.f32 v14, v22;
	v11 =	vadd.f32 v11, v19;
	v30 =	vunpack.i.l.bf16.f32 v30;
	v44 =	vld [tilespmem:s18+$0x8B0]  }
0x103: {  	v16 =	vadd.f32 v16, v23;
	v12 =	vadd.f32 v12, v20;
	v19 =	vunpack.i.u.bf16.f32 v27;
	v20 =	vld.idx.msk [tilespmem:v39+s3+$0x0], $0xffff  }
0x104: {  	v17 =	vadd.f32 v17, v25;
	v13 =	vadd.f32 v13, v21;
	v22 =	vunpack.i.l.bf16.f32 v27;
	v23 =	vld.idx.msk [tilespmem:v35+s3+$0x0], $0xffff  }
0x105: {  	v18 =	vadd.f32 v18, v26;
	v15 =	vadd.f32 v15, v24;
	v24 =	vunpack.i.u.bf16.f32 v29;
	v21 =	vld [tilespmem:s18+$0x810]  }
0x106: {  	v26 =	vadd.f32 v30, v32;
	v30 =	vadd.f32 v43, v31;
	v27 =	vunpack.i.l.bf16.f32 v29;
	v25 =	vld [tilespmem:s18+$0xD0]  }
0x107: {  	v22 =	vadd.f32 v22, v34;
	v19 =	vadd.f32 v19, v40;
	v31 =	vunpack.i.u.bf16.f32 v42;
	v29 =	vld [tilespmem:s18+$0xE0]  }
0x108: {  	v35 =	vadd.f32 v27, v37;
	v24 =	vadd.f32 v24, v33;
	v34 =	vunpack.i.l.bf16.f32 v42;
	v32 =	vld [tilespmem:s18+$0xF0]  }
0x109: {  	v28 =	vadd.f32 v34, v28;
	v31 =	vadd.f32 v31, v38;
	v34 =	vunpack.i.u.bf16.f32 v20;
	v33 =	vld [tilespmem:s18+$0x50]  }
0x10a: {  	v16 =	vadd.f32 v17, v16;
	v12 =	vadd.f32 v13, v12;
	v37 =	vunpack.i.u.bf16.f32 v23;
	v27 =	vld [tilespmem:s18+$0x60]  }
0x10b: {  	v22 =	vadd.f32 v22, v26;
	v19 =	vadd.f32 v19, v30;
	v17 =	vunpack.i.l.bf16.f32 v23;
	v13 =	vld.idx.msk [tilespmem:v36+s3+$0x0], $0xffff  }
0x10c: {  	v20 =	vunpack.i.l.bf16.f32 v20;
	v17 =	vadd.f32 v17, v28;
	v26 =	vadd.f32 v37, v31;
	v23 =	vld [tilespmem:s18+$0x90]  }
0x10d: {  	v30 =	vmov s17;
	v20 =	vadd.f32 v20, v35;
	v24 =	vadd.f32 v34, v24;
	v28 =	vld.idx.msk [tilespmem:v41+s3+$0x0], $0xffff  }
0x10e: {  	s20 =	sadd.s32 $0x1, s17;
	s17 =	smov.u32 s19;
	vm0 =	veq.s32 v30, v6;
	v17 =	vadd.f32 v17, v18;
	v15 =	vadd.f32 v26, v15;
	v31 =	vld [tilespmem:s18+$0xA0]  }
0x10f: {  	v14 =	vadd.f32 v20, v14;
	v20 =	vadd.f32 v24, v11;
	v11 =	vmov s20;
	v18 =	vld.idx.msk [tilespmem:v44+s3+$0x0], $0xffff  }
0x110: {  	vm1 =	veq.s32 v11, v6;
	v17 =	vadd.f32 v17, v22;
	v15 =	vadd.f32 v15, v19;
	v24 =	vld [tilespmem:s18+$0xB0]  }
0x111: {  	v20 =	vadd.f32 v20, v12;
	v11 =	vunpack.i.u.bf16.f32 v13;
	v19 =	vld.idx.msk [tilespmem:v21+s3+$0x0], $0xffff;
	v21 =	vadd.f32 v14, v16  }
0x112: {  	v22 =	vperm.xlane v15, v2;
	v14 =	vunpack.i.l.bf16.f32 v13;
	v13 =	vperm.xlane v17, v2;
	v26 =	vld [tilespmem:s18+$0x10]  }
0x113: {  	v34 =	vperm.xlane v20, v2;
	v12 =	vunpack.i.u.bf16.f32 v28;
	v25 =	vld.idx.msk [tilespmem:v25+s3+$0x0], $0xffff;
	v30 =	vperm.xlane v21, v2  }
0x114: {  	v16 =	vunpack.i.l.bf16.f32 v28;
	v22 =	vadd.f32 v22, v15;
	v28 =	vadd.f32 v17, v13;
	v35 =	vld [tilespmem:s18+$0x20]  }
0x115: {  	v20 =	vadd.f32 v34, v20;
	v13 =	vunpack.i.u.bf16.f32 v18;
	v29 =	vld.idx.msk [tilespmem:v29+s3+$0x0], $0xffff;
	v21 =	vadd.f32 v21, v30  }
0x116: {  	v17 =	vunpack.i.l.bf16.f32 v18;
	v36 =	vperm.xlane v22, v3;
	v34 =	vperm.xlane v28, v3;
	v30 =	vld [tilespmem:s18+$0x30]  }
0x117: {  	v38 =	vperm.xlane v20, v3;
	v15 =	vunpack.i.u.bf16.f32 v19;
	v32 =	vld.idx.msk [tilespmem:v32+s3+$0x0], $0xffff;
	v37 =	vperm.xlane v21, v3  }
0x118: {  	v18 =	vunpack.i.l.bf16.f32 v19;
	v28 =	vadd.f32 v28, v34;
	v34 =	vadd.f32 v36, v22;
	v39 =	vld [tilespmem:s18+$0x80]  }
0x119: {  	v19 =	vunpack.i.u.bf16.f32 v25;
	v33 =	vld.idx.msk [tilespmem:v33+s3+$0x0], $0xffff;
	v36 =	vadd.f32 v21, v37;
	v37 =	vadd.f32 v38, v20  }
0x11a: {  	v22 =	vunpack.i.l.bf16.f32 v25;
	v21 =	vperm.xlane v28, v4;
	v25 =	vperm.xlane v34, v4;
	v38 =	vld [tilespmem:s18+$0x0]  }
0x11b: {  	v20 =	vunpack.i.u.bf16.f32 v29;
	v40 =	vld.idx.msk [tilespmem:v23+s3+$0x0], $0xffff;
	v41 =	vperm.xlane v36, v4;
	v42 =	vperm.xlane v37, v4  }
0x11c: {  	v23 =	vunpack.i.l.bf16.f32 v29;
	v28 =	vadd.f32 v28, v21;
	v29 =	vadd.f32 v25, v34;
	v31 =	vld.idx.msk [tilespmem:v31+s3+$0x0], $0xffff  }
0x11d: {  	v21 =	vunpack.i.u.bf16.f32 v32;
	v34 =	vld.idx.msk [tilespmem:v24+s3+$0x0], $0xffff;
	v36 =	vadd.f32 v36, v41;
	v37 =	vadd.f32 v42, v37  }
0x11e: {  	v25 =	vunpack.i.l.bf16.f32 v32;
	v32 =	vperm.xlane v28, v5;
	v42 =	vperm.xlane v29, v5;
	v41 =	vld.idx.msk [tilespmem:v26+s3+$0x0], $0xffff  }
0x11f: {  	v24 =	vunpack.i.u.bf16.f32 v33;
	v35 =	vld.idx.msk [tilespmem:v35+s3+$0x0], $0xffff;
	v43 =	vperm.xlane v36, v5;
	v44 =	vperm.xlane v37, v5  }
0x120: {  	v26 =	vunpack.i.l.bf16.f32 v33;
	v28 =	vadd.f32 v28, v32;
	v29 =	vadd.f32 v42, v29;
	v46 =	vld [tilespmem:s18+$0x70]  }
0x121: {  	v33 =	vunpack.i.u.bf16.f32 v40;
	v32 =	vld.idx.msk [tilespmem:v30+s3+$0x0], $0xffff;
	v30 =	vadd.f32 v36, v43;
	v36 =	vadd.f32 v44, v37  }
0x122: {  	v37 =	vunpack.i.l.bf16.f32 v40;
	v9 =	vsel vm0, v28, v9;
	v10 =	vsel vm0, v29, v10;
	v44 =	vld [tilespmem:s18+$0xC0]  }
0x123: {  	v42 =	vunpack.i.u.bf16.f32 v31;
	v29 =	vld.idx.msk [tilespmem:v39+s3+$0x0], $0xffff;
	v9 =	vsel vm1, v30, v9;
	v10 =	vsel vm1, v36, v10  }
0x124: {  	v31 =	vunpack.i.l.bf16.f32 v31;
	v47 =	vunpack.i.u.bf16.f32 v34;
	v36 =	vunpack.i.l.bf16.f32 v34;
	v28 =	vld [tilespmem:s18+$0x40]  }
0x125: {  	v48 =	vunpack.i.u.bf16.f32 v41;
	v43 =	vld.idx.msk [tilespmem:v38+s3+$0x0], $0xffff;
	v38 =	vunpack.i.l.bf16.f32 v41;
	v41 =	vunpack.i.u.bf16.f32 v35  }
0x126: {  	v40 =	vadd.f32 $0.0e+00, v33;
	v39 =	vadd.f32 $0.0e+00, v37;
	v49 =	vunpack.i.l.bf16.f32 v35;
	v30 =	vld [tilespmem:s18+$0x820]  }
.Ltmp1:
0x127: {  	v34 =	vadd.f32 $0.0e+00, v31;
	v35 =	vadd.f32 $0.0e+00, v42;
	v50 =	vunpack.i.u.bf16.f32 v32;
	v45 =	vld.idx.msk [tilespmem:v27+s3+$0x0], $0xffff;
	(pc) =	sbr.rel @p2 .LBB2_5-.Ltmp1, $4  }
0x128: {  	v37 =	vadd.f32 $0.0e+00, v47;
	v36 =	vadd.f32 $0.0e+00, v36;
	v42 =	vunpack.i.l.bf16.f32 v32;
	v27 =	vld [tilespmem:s18+$0x830]  }
0x129: {  	v33 =	vadd.f32 $0.0e+00, v48;
	v38 =	vadd.f32 $0.0e+00, v38;
	v47 =	vunpack.i.u.bf16.f32 v29;
	v46 =	vld.idx.msk [tilespmem:v46+s3+$0x0], $0xffff  }
0x12a: {  	v32 =	vadd.f32 $0.0e+00, v49;
	v31 =	vadd.f32 $0.0e+00, v41;
	v49 =	vunpack.i.l.bf16.f32 v29;
	v29 =	vld [tilespmem:s18+$0x880]  }
0x12b: {  	s19 =	sadd.s32 $0x2, s19;
	v41 =	vadd.f32 $0.0e+00, v42;
	v42 =	vadd.f32 $0.0e+00, v50;
	v48 =	vunpack.i.u.bf16.f32 v43;
	v44 =	vld.idx.msk [tilespmem:v44+s3+$0x0], $0xffff  }
0x12c: {  	v49 =	vadd.f32 $0.0e+00, v49  }
0x12d: {  	v47 =	vadd.f32 $0.0e+00, v47;
	v48 =	vadd.f32 $0.0e+00, v48  }
0x12e: {  	v22 =	vadd.f32 v22, v39;
	v19 =	vadd.f32 v19, v40  }
0x12f: {  	v23 =	vadd.f32 v23, v34;
	v20 =	vadd.f32 v20, v35  }
0x130: {  	v43 =	vunpack.i.l.bf16.f32 v43;
	v25 =	vadd.f32 v25, v36;
	v21 =	vadd.f32 v21, v37  }
0x131: {  	v52 =	vunpack.i.l.bf16.f32 v45;
	v26 =	vadd.f32 v26, v38;
	v24 =	vadd.f32 v24, v33  }
0x132: {  	v50 =	vld [tilespmem:s18+$0x800];
	v51 =	vunpack.i.u.bf16.f32 v45;
	v43 =	vadd.f32 $0.0e+00, v43;
	v32 =	vadd.f32 v52, v32  }
0x133: {  	v28 =	vld.idx.msk [tilespmem:v28+s3+$0x0], $0xffff;
	v31 =	vadd.f32 v51, v31;
	v14 =	vadd.f32 v14, v22  }
0x134: {  	v55 =	vld [tilespmem:s18+$0x840];
	v11 =	vadd.f32 v11, v19;
	v16 =	vadd.f32 v16, v23  }
0x135: {  	v56 =	vld [tilespmem:s18+$0x8C0];
	v12 =	vadd.f32 v12, v20;
	v17 =	vadd.f32 v17, v25  }
0x136: {  	v30 =	vld.idx.msk [tilespmem:v30+s3+$0x0], $0xffff;
	v54 =	vunpack.i.l.bf16.f32 v46;
	v13 =	vadd.f32 v13, v21;
	v18 =	vadd.f32 v18, v26  }
0x137: {  	v27 =	vld.idx.msk [tilespmem:v27+s3+$0x0], $0xffff;
	v53 =	vunpack.i.u.bf16.f32 v46;
	v15 =	vadd.f32 v15, v24;
	v35 =	vadd.f32 v54, v41  }
0x138: {  	v34 =	vadd.f32 v53, v42;
	v57 =	vunpack.i.u.bf16.f32 v44;
	v58 =	vunpack.i.l.bf16.f32 v44  }
0x139: {  	v29 =	vld.idx.msk [tilespmem:v29+s3+$0x0], $0xffff;
	v16 =	vadd.f32 v17, v16;
	v12 =	vadd.f32 v13, v12;
	v59 =	vunpack.i.l.bf16.f32 v28  }
0x13a: {  	v38 =	vadd.f32 v58, v49;
	v28 =	vunpack.i.u.bf16.f32 v28;
	v33 =	vadd.f32 v57, v47;
	v61 =	vld.idx.msk [tilespmem:v50+s3+$0x0], $0xffff  }
0x13b: {  	v60 =	vunpack.i.u.bf16.f32 v30;
	v30 =	vunpack.i.l.bf16.f32 v30;
	v39 =	vadd.f32 v59, v43  }
0x13c: {  	v28 =	vadd.f32 v28, v48;
	v63 =	vunpack.i.l.bf16.f32 v27;
	v42 =	vadd.f32 v30, v32;
	v36 =	vld.idx.msk [tilespmem:v55+s3+$0x0], $0xffff  }
0x13d: {  	v62 =	vunpack.i.u.bf16.f32 v27;
	v44 =	vadd.f32 v60, v31;
	v20 =	vadd.f32 v63, v35;
	v43 =	vld.idx.msk [tilespmem:v56+s3+$0x0], $0xffff  }
0x13e: {  	v19 =	vadd.f32 v62, v34;
	v41 =	vunpack.i.u.bf16.f32 v29;
	v45 =	vunpack.i.l.bf16.f32 v29  }
0x13f: {  	v27 =	vadd.f32 v45, v38;
	v21 =	vadd.f32 v41, v33;
	v46 =	vunpack.i.l.bf16.f32 v61  }
0x140: {  	v49 =	vadd.f32 v20, v42;
	v22 =	vunpack.i.u.bf16.f32 v61;
	v29 =	vadd.f32 v46, v39  }
0x141: {  	v19 =	vadd.f32 v19, v44;
	v48 =	vunpack.i.l.bf16.f32 v36;
	v22 =	vadd.f32 v22, v28  }
0x142: {  	v47 =	vunpack.i.u.bf16.f32 v36;
	v50 =	vunpack.i.l.bf16.f32 v43;
	v13 =	vadd.f32 v48, v29  }
0x143: {  	v51 =	vunpack.i.u.bf16.f32 v43;
	v20 =	vadd.f32 v50, v27;
	v22 =	vadd.f32 v47, v22  }
0x144: {  	v21 =	vadd.f32 v51, v21;
	v13 =	vadd.f32 v13, v18  }
0x145: {  	v14 =	vadd.f32 v20, v14;
	v15 =	vadd.f32 v22, v15  }
0x146: {  	v11 =	vadd.f32 v21, v11;
	v13 =	vadd.f32 v13, v49  }
0x147: {  	v14 =	vadd.f32 v14, v16;
	v15 =	vadd.f32 v15, v19  }
0x148: {  	v11 =	vadd.f32 v11, v12;
	v52 =	vperm.xlane v13, v2  }
0x149: {  	v54 =	vperm.xlane v14, v2;
	v53 =	vperm.xlane v15, v2  }
0x14a: {  	v55 =	vperm.xlane v11, v2;
	v12 =	vadd.f32 v13, v52  }
0x14b: {  	v14 =	vadd.f32 v14, v54;
	v56 =	vadd.f32 v53, v15  }
0x14c: {  	v11 =	vadd.f32 v55, v11;
	v57 =	vperm.xlane v12, v3  }
0x14d: {  	v17 =	vperm.xlane v14, v3;
	v16 =	vperm.xlane v56, v3  }
0x14e: {  	v18 =	vperm.xlane v11, v3;
	v12 =	vadd.f32 v12, v57  }
0x14f: {  	v14 =	vadd.f32 v14, v17;
	v13 =	vadd.f32 v16, v56  }
0x150: {  	s1 =	sadd.s32 @!p1 s1, s13;
	v11 =	vadd.f32 v18, v11;
	v15 =	vperm.xlane v12, v4  }
0x151: {  	s19 =	simm.s32 @!p1 $0x0;
	s20 =	simm.s32 @!p1 $0x1A000;
	s18 =	sadd.s32 @!p1 s5, s1;
	v17 =	vperm.xlane v14, v4;
	v16 =	vperm.xlane v13, v4  }
0x152: {  	[tilespmem:s20], [sflag:$0x2] =	stream.linear.gather @!p1 [hbm4b:s18+s19], $0x800, $0x38;
	v18 =	vperm.xlane v11, v4;
	v12 =	vadd.f32 v12, v15;
	[tilespmem:$0x1CA90] =	vst v63  }
0x153: {  	s1 =	sadd.s32 @!p1 s6, s1;
	s18 =	simm.s32 @!p1 $0x1A800;
	v14 =	vadd.f32 v14, v17;
	v13 =	vadd.f32 v16, v13  }
0x154: {  	[tilespmem:s18], [sflag:$0x2] =	stream.linear.gather @!p1 [hbm4b:s1+s19], $0x800, $0x38;
	v11 =	vadd.f32 v18, v11;
	v15 =	vperm.xlane v12, v5;
	[tilespmem:$0x1CA90] =	vst v63  }
0x155: {  	v58 =	vmov s17;
	v61 =	vld [tilespmem:s0+$0x1B010];
	v60 =	vperm.xlane v14, v5;
	v59 =	vperm.xlane v13, v5  }
0x156: {  	vm0 =	veq.s32 v58, v6;
	s20 =	sadd.s32 $0x1, s17;
	v62 =	vperm.xlane v11, v5;
	v12 =	vadd.f32 v12, v15  }
0x157: {  	v63 =	vmov s20;
	v14 =	vadd.f32 v14, v60;
	v13 =	vadd.f32 v59, v13  }
0x158: {  	vm1 =	veq.s32 v63, v6;
	v11 =	vadd.f32 v62, v11;
	v9 =	vsel vm0, v12, v9  }
0x159: {  	s31 =	sadd.s32 $0x1, s31;
	v10 =	vsel vm0, v13, v10;
	v9 =	vsel vm1, v14, v9  }
0x15a: {  	p1 =	sne.s32 s31, $0x4;
	v10 =	vsel vm1, v11, v10;
	v9 =	vmul.f32 v61, v9  }
.Ltmp2:
0x15b: {  	v10 =	vmul.f32 v61, v10;
	(pc) =	sbr.rel @p1 .LBB2_2-.Ltmp2, $4  }
0x15c: {  	v9 =	vadd.f32 v9, v7  }
0x15d: {  	v10 =	vadd.f32 v10, v8  }
0x15e: {  	[tilespmem:s0+$0x1B0A0] =	vst v9  }
0x15f: {  	[tilespmem:s0+$0x1B120] =	vst v10  }
0x160: {  	[hbm4b:s14+s3] =	stream.linear.scatter [tilespmem:s28], [sflag:$0x4], $0x80, $0x38;
	[tilespmem:$0x1CA90] =	vst v63  }
0x161: {  	s30 =	sadd.s32 $0x1, s30;
	_ =	swait.ge [sflag:s23], $0x80  }
0x162: {  	p1 =	sne.s32 s30, s16;
	[sflag:s23] =	ssyncset.done $0x0  }
.Ltmp3:
0x163: {  	[sflag:s23] =	ssyncadd.s32 $0xFFFFFF80;
	(pc) =	sbr.rel @p1 .LBB2_1-.Ltmp3, $4  }
0x164: {  	[hbm4b:s15+s3] =	stream.linear.scatter [tilespmem:s29], [sflag:$0x4], $0x80, $0x38;
	[tilespmem:$0x1CA90] =	vst v63  }
0x165: {  	_ =	swait.ge [sflag:s23], $0x80  }
0x166: {  	[sflag:s23] =	ssyncset.done $0x0  }
0x167: {  	[sflag:s23] =	ssyncadd.s32 $0xFFFFFF80  }
0x168: {  	_ =	sfence.sel $0x180000  }
0x169: {  	[bflag:$0x0] =	sbarrier.arrive $0xFFFF  }
0x16a: {  	_ =	strace $0x90000047  }
0x16b: {  	[bflag:$0x2] =	sbarrier.arrive $0xFFFF  }
0x16c: {  	s0 =	rddreg [dreg:$0x3]  }
0x16d: {  	s0 =	sadd.s32 @!p0 $0x100000, s0  }
0x16e: {  	[sflag:s0] =	ssyncadd.tile.s32 @!p0 $0x1;
	_ =	shalt  }
.Lfunc_end2:
_tile_overlayer_lowered:
.L_overlay_start_2:
0x16f: {  	(tag) =	ssettag $0x2  }
0x170: {  	s0 =	rddreg [dreg:$0x0];
	s2 =	stileid.u32  }
0x171: {  	s1 =	rddreg [dreg:$0x1];
	p0 =	sne.s32 s2, $0x0  }
0x172: {  	s3 =	rddreg [dreg:$0x2];
	[bflag:$0x3] =	sbarrier.arrive $0xFFFF;
	s2 =	simm.s32 @!p0 $0x1C04  }
0x173: {  	[timem:s3], [sflag:s2] =	dma.local @!p0 [hbm:s0], s1  }
0x174: {  	s0 =	simm.s32 @!p0 $0x4  }
0x175: {  	_ =	swait.ge @!p0 [sflag:s0], s1  }
0x176: {  	s1 =	ssub.s32 @!p0 $0x0, s1;
	[sflag:s0] =	ssyncset.done @!p0 $0x0  }
0x177: {  	[sflag:s0] =	ssyncadd.s32 @!p0 s1  }
0x178: {  	[bflag:$0x3] =	sbarrier.arrive $0xFFFF  }
0x179: {  	_ =	shalt  }

</sc_bundles>
